<compile_context>
chip_gen: v7x
topology: tpu7x:2x2x1
jax: 0.10.2.dev20260603
libtpu: 0.0.44.dev20260713+nightly
codegen_flags: <defaults>
</compile_context>

<pallas_src>
import jax
import jax.numpy as jnp
from jax import lax
from jax.experimental import pallas as pl
from jax.experimental.pallas import tpu as pltpu
from jax.experimental.pallas import tpu_sc as plsc

_NUM_CODES = 8192
_EMBED_DIM = 256
_COMMIT_COST = 0.1
_N_TOKENS = 32768

_BR = 512
_NBLK = _N_TOKENS // _BR


def _vq_body(z_ref, e_ref, idx_ref, stats_ref, esq_ref, acc_ref):
    step = pl.program_id(0)

    @pl.when(step == 0)
    def _init():
        e = e_ref[...]
        esq_ref[...] = jnp.sum(e * e, axis=1)
        acc_ref[0] = 0.0

    z = z_ref[...]
    zsq = jnp.sum(z * z, axis=1, keepdims=True)
    p2 = lax.dot_general(
        z + z, e_ref[...],
        dimension_numbers=(((1,), (1,)), ((), ())),
        preferred_element_type=jnp.float32,
        precision=lax.Precision.DEFAULT,
    )
    sqc = jnp.maximum((zsq + esq_ref[...][None, :]) - p2, 0.0)
    m = jnp.min(sqc, axis=1, keepdims=True)
    cols = lax.broadcasted_iota(jnp.int32, (_BR, _NUM_CODES), 1)
    idx = jnp.min(jnp.where(sqc == m, cols, _NUM_CODES), axis=1)
    idx_ref[0, 0, :] = idx
    acc_ref[0] += jnp.sum(m)

    @pl.when(step == _NBLK - 1)
    def _fin():
        stats_ref[0, 0] = _COMMIT_COST * acc_ref[0] / (_N_TOKENS * _EMBED_DIM)


def _vq_argmin(z_e, embeddings):
    idx3, stats = pl.pallas_call(
        _vq_body,
        grid=(_NBLK,),
        in_specs=[
            pl.BlockSpec((_BR, _EMBED_DIM), lambda i: (i, 0)),
            pl.BlockSpec((_NUM_CODES, _EMBED_DIM), lambda i: (0, 0)),
        ],
        out_specs=[
            pl.BlockSpec((1, 1, _BR), lambda i: (i, 0, 0)),
            pl.BlockSpec(memory_space=pltpu.SMEM),
        ],
        out_shape=[
            jax.ShapeDtypeStruct((_NBLK, 1, _BR), jnp.int32),
            jax.ShapeDtypeStruct((1, 1), jnp.float32),
        ],
        scratch_shapes=[
            pltpu.VMEM((_NUM_CODES,), jnp.float32),
            pltpu.SMEM((1,), jnp.float32),
        ],
    )(z_e, embeddings)
    return idx3.reshape(_N_TOKENS), stats


_NW = 32
_BPW = _N_TOKENS // _NW
_CH = 256
_NCH = _BPW // _CH
_L = 16


_CROWS = _NUM_CODES // _L


def _gather_body(table_hbm, idx_hbm, out_hbm, cnt_hbm,
                 idx_v, rows_v, ones_v, zro_v, shared_cnt, sem):
    cid = lax.axis_index("c")
    sid = lax.axis_index("s")
    wid = sid * 2 + cid
    base = wid * _BPW

    ones = jnp.ones((_L,), jnp.float32)

    def _fill_ones(i, _):
        ones_v[pl.ds(i * _L, _L)] = ones
        return 0

    lax.fori_loop(0, _CH // _L, _fill_ones, 0)

    zeros = jnp.zeros((_L,), jnp.float32)

    def _fill_zeros(i, _):
        zro_v[pl.ds(i * _L, _L)] = zeros
        return 0

    lax.fori_loop(0, _NUM_CODES // _L, _fill_zeros, 0)

    @pl.when(sid == 0)
    def _init_shared():
        pltpu.sync_copy(zro_v, shared_cnt)
    plsc.subcore_barrier()

    for c in range(_NCH):
        pltpu.sync_copy(idx_hbm.at[pl.ds(base + c * _CH, _CH)], idx_v)
        pltpu.async_copy(table_hbm.at[idx_v], rows_v, sem).wait()
        pltpu.sync_copy(rows_v, out_hbm.at[pl.ds(base + c * _CH, _CH)])
        pltpu.sync_copy(ones_v, shared_cnt.at[idx_v], add=True)

    plsc.subcore_barrier()

    @pl.when(sid == 0)
    def _writeout():
        pltpu.sync_copy(shared_cnt, cnt_hbm.at[cid])


def _sc_gather_hist(embeddings, indices):
    gk = pl.kernel(
        _gather_body,
        mesh=plsc.VectorSubcoreMesh(core_axis_name="c", subcore_axis_name="s"),
        out_type=[
            jax.ShapeDtypeStruct((_N_TOKENS, _EMBED_DIM), jnp.float32),
            jax.ShapeDtypeStruct((2, _NUM_CODES), jnp.float32),
        ],
        scratch_types=[
            pltpu.VMEM((_CH,), jnp.int32),
            pltpu.VMEM((_CH, _EMBED_DIM), jnp.float32),
            pltpu.VMEM((_CH,), jnp.float32),
            pltpu.VMEM((_NUM_CODES,), jnp.float32),
            pltpu.VMEM_SHARED((_NUM_CODES,), jnp.float32),
            pltpu.SemaphoreType.DMA,
        ],
    )
    return gk(embeddings, indices)


def _perp_body(cnt_ref, out_ref):
    p = jnp.sum(cnt_ref[...], axis=0) * (1.0 / _N_TOKENS)
    out_ref[0, 0] = jnp.exp(-jnp.sum(p * jnp.log(p + 1e-10)))


def _perplexity(counts):
    out = pl.pallas_call(
        _perp_body,
        out_specs=pl.BlockSpec(memory_space=pltpu.SMEM),
        out_shape=jax.ShapeDtypeStruct((1, 1), jnp.float32),
    )(counts)
    return out[0, 0]


def kernel(z_e, embeddings):
    indices, stats = _vq_argmin(z_e, embeddings)
    z_q, counts = _sc_gather_hist(embeddings, indices)
    perplexity = _perplexity(counts)
    commitment_loss = stats[0, 0]
    return (z_q, indices, commitment_loss, perplexity)

# --- scband reference (transcript-rebuilt; emitter-appended) ---
"""Pipeline reference for scband-emavector-quantizer-41549513621530 (READ-ONLY COPY).

The authoritative reference and input builder live on the scoring server;
editing this copy changes nothing except your own understanding.
"""

import jax, jax.numpy as jnp
import numpy as np

NUM_CODES = 8192
EMBED_DIM = 256
COMMITMENT_COST = 0.1
N_TOKENS = 32768


def setup_inputs(seed: int = 0) -> dict:
    key = jax.random.key(seed)
    k1, k2 = jax.random.split(key)
    z_e = jax.random.normal(k1, (N_TOKENS, EMBED_DIM), dtype=jnp.float32)
    embeddings = jax.random.normal(k2, (NUM_CODES, EMBED_DIM), dtype=jnp.float32)
    return {"z_e": z_e, "embeddings": embeddings}


def reference(z_e, embeddings):
    # torch.cdist(z_e, embeddings), p=2 Euclidean
    sq = (jnp.sum(z_e ** 2, axis=1, keepdims=True)
          + jnp.sum(embeddings ** 2, axis=1)[None, :]
          - 2.0 * (z_e @ embeddings.T))
    distances = jnp.sqrt(jnp.clip(sq, 0.0, None))
    indices = jnp.argmin(distances, axis=-1)
    # F.embedding(indices, embeddings)
    z_q = jnp.take(embeddings, indices, axis=0)
    # eval mode: _initialized is False at construction, so EMA update branch is skipped
    commitment_loss = COMMITMENT_COST * jnp.mean((jax.lax.stop_gradient(z_q) - z_e) ** 2)
    # straight-through estimator
    z_q_st = z_e + jax.lax.stop_gradient(z_q - z_e)
    encodings = jax.nn.one_hot(indices, NUM_CODES, dtype=jnp.float32)
    avg_probs = jnp.mean(encodings, axis=0)
    perplexity = jnp.exp(-jnp.sum(avg_probs * jnp.log(avg_probs + 1e-10)))
    return (z_q_st, indices, commitment_loss, perplexity)

if __name__ == "__main__":
    import jax
    _d = setup_inputs()
    print(jax.jit(kernel)(*tuple(_d.values())))

</pallas_src>

<mosaic_0001>
#map = affine_map<(d0, d1) -> (0, 0)>
#map1 = affine_map<(d0, d1) -> (0)>
module attributes {stable_mosaic.version = 14 : i64} {
  func.func @_gather_body(%arg0: i32, %arg1: i32, %arg2: memref<8192x256xf32, #tpu.memory_space<hbm>>, %arg3: memref<32768xi32, #tpu.memory_space<hbm>>, %arg4: memref<32768x256xf32, #tpu.memory_space<hbm>>, %arg5: memref<2x8192xf32, #tpu.memory_space<hbm>>, %arg6: memref<256xi32, #tpu.memory_space<vmem>>, %arg7: memref<256x256xf32, #tpu.memory_space<vmem>>, %arg8: memref<256xf32, #tpu.memory_space<vmem>>, %arg9: memref<8192xf32, #tpu.memory_space<vmem>>, %arg10: memref<8192xf32, #tpu.memory_space<vmem_shared>>, %arg11: memref<!tpu.dma_semaphore, #tpu.memory_space<semaphore_mem>>) attributes {dimension_semantics = [#tpu.dimension_semantics<core_parallel>, #tpu.dimension_semantics<subcore_parallel>], iteration_bounds = array<i64: 2, 16>, scalar_prefetch = 0 : i64, scratch_operands = 6 : i64, tpu.core_type = #tpu.core_type<sc_vector_subcore>, window_params = [{transform_indices = #map}, {transform_indices = #map1}, {transform_indices = #map}, {transform_indices = #map}]} {
    %mul3A = arith.constant 2 : i32
    %mul3A_0 = arith.muli %arg1, %mul3A : i32
    %add3A = arith.addi %mul3A_0, %arg0 : i32
    %mul3A_1 = arith.constant 1024 : i32
    %mul3A_2 = arith.muli %add3A, %mul3A_1 : i32
    %broadcast_in_dim3A = arith.constant 1.000000e+00 : f32
    %broadcast_in_dim3A_3 = vector.broadcast %broadcast_in_dim3A : f32 to vector<16xf32>
    %scan3A = arith.constant 0 : i32
    %scan3A_4 = arith.constant 0 : i32
    %scan3A_5 = arith.constant 16 : i32
    %scan3A_6 = arith.addi %scan3A_4, %scan3A_5 : i32
    %scan3A_7 = arith.constant 1 : i32
    %scan3A_8 = scf.for %scan3A_65 = %scan3A_4 to %scan3A_6 step %scan3A_7 iter_args(%scan3A_66 = %scan3A) -> (i32)  : i32 {
      %mul3A_67 = arith.constant 16 : i32
      %mul3A_68 = arith.muli %scan3A_65, %mul3A_67 : i32
      %swap3A = arith.index_cast %mul3A_68 : i32 to index
      %swap3A_69 = tpu.vector_load %arg8[%swap3A] {strides = array<i32>} : memref<256xf32, #tpu.memory_space<vmem>>, vector<16xf32>,
      %swap3A_70 = vector.shape_cast %swap3A_69 : vector<16xf32> to vector<16xf32>
      %swap3A_71 = vector.shape_cast %broadcast_in_dim3A_3 : vector<16xf32> to vector<16xf32>
      tpu.vector_store %arg8[%swap3A], %swap3A_71 {strides = array<i32>} : memref<256xf32, #tpu.memory_space<vmem>>, vector<16xf32>,
      %scan3A_72 = arith.constant 0 : i32
      scf.yield %scan3A_72 : i32
    }
    %scan3A_9 = arith.constant 16 : i32
    %broadcast_in_dim3A_10 = arith.constant 0.000000e+00 : f32
    %broadcast_in_dim3A_11 = vector.broadcast %broadcast_in_dim3A_10 : f32 to vector<16xf32>
    %scan3A_12 = arith.constant 0 : i32
    %scan3A_13 = arith.constant 0 : i32
    %scan3A_14 = arith.constant 512 : i32
    %scan3A_15 = arith.addi %scan3A_13, %scan3A_14 : i32
    %scan3A_16 = arith.constant 1 : i32
    %scan3A_17 = scf.for %scan3A_65 = %scan3A_13 to %scan3A_15 step %scan3A_16 iter_args(%scan3A_66 = %scan3A_12) -> (i32)  : i32 {
      %mul3A_67 = arith.constant 16 : i32
      %mul3A_68 = arith.muli %scan3A_65, %mul3A_67 : i32
      %swap3A = arith.index_cast %mul3A_68 : i32 to index
      %swap3A_69 = tpu.vector_load %arg9[%swap3A] {strides = array<i32>} : memref<8192xf32, #tpu.memory_space<vmem>>, vector<16xf32>,
      %swap3A_70 = vector.shape_cast %swap3A_69 : vector<16xf32> to vector<16xf32>
      %swap3A_71 = vector.shape_cast %broadcast_in_dim3A_11 : vector<16xf32> to vector<16xf32>
      tpu.vector_store %arg9[%swap3A], %swap3A_71 {strides = array<i32>} : memref<8192xf32, #tpu.memory_space<vmem>>, vector<16xf32>,
      %scan3A_72 = arith.constant 0 : i32
      scf.yield %scan3A_72 : i32
    }
    %scan3A_18 = arith.constant 512 : i32
    %eq3A = arith.constant 0 : i32
    %eq3A_19 = arith.cmpi eq, %arg1, %eq3A : i32
    %convert_element_type3A = arith.extui %eq3A_19 : i1 to i32
    %cond3A = arith.constant 0 : i32
    %cond3A_20 = arith.cmpi ne, %convert_element_type3A, %cond3A : i32
    scf.if %cond3A_20 {
      "tpu.region"() ({
        %run_scoped3A = tpu.sem_alloc : memref<!tpu.dma_semaphore, #tpu.memory_space<semaphore_mem>>
        tpu.enqueue_dma source(%arg9 : memref<8192xf32, #tpu.memory_space<vmem>>) target(%arg10 : memref<8192xf32, #tpu.memory_space<vmem_shared>>) target_semaphore(%run_scoped3A : memref<!tpu.dma_semaphore, #tpu.memory_space<semaphore_mem>>)
        tpu.wait_dma2 semaphore(%run_scoped3A : memref<!tpu.dma_semaphore, #tpu.memory_space<semaphore_mem>>) src(%arg9 : memref<8192xf32, #tpu.memory_space<vmem>>) dst(%arg10 : memref<8192xf32, #tpu.memory_space<vmem_shared>>)
        tpu.yield
      }) : () -> ()
    } else {
    }
    %barrier3A = arith.constant 0 : index
    tpu.barrier barrier_id(%barrier3A)
    %add3A_21 = arith.constant 0 : i32
    %add3A_22 = arith.addi %mul3A_2, %add3A_21 : i32
    "tpu.region"() ({
      %run_scoped3A = tpu.sem_alloc : memref<!tpu.dma_semaphore, #tpu.memory_space<semaphore_mem>>
      %dma_start3A_65 = tpu.memref_slice %arg3[%add3A_22] : memref<32768xi32, #tpu.memory_space<hbm>> -> memref<256xi32, #tpu.memory_space<hbm>>
      %dma_start3A_66 = tpu.memref_slice %arg3[%add3A_22] : memref<32768xi32, #tpu.memory_space<hbm>> -> memref<256xi32, #tpu.memory_space<hbm>>
      tpu.enqueue_dma source(%dma_start3A_66 : memref<256xi32, #tpu.memory_space<hbm>>) target(%arg6 : memref<256xi32, #tpu.memory_space<vmem>>) target_semaphore(%run_scoped3A : memref<!tpu.dma_semaphore, #tpu.memory_space<semaphore_mem>>)
      %dma_wait3A_67 = tpu.memref_slice %arg3[%add3A_22] : memref<32768xi32, #tpu.memory_space<hbm>> -> memref<256xi32, #tpu.memory_space<hbm>>
      %dma_wait3A_68 = tpu.memref_slice %arg3[%add3A_22] : memref<32768xi32, #tpu.memory_space<hbm>> -> memref<256xi32, #tpu.memory_space<hbm>>
      tpu.wait_dma2 semaphore(%run_scoped3A : memref<!tpu.dma_semaphore, #tpu.memory_space<semaphore_mem>>) src(%dma_wait3A_68 : memref<256xi32, #tpu.memory_space<hbm>>) dst(%arg6 : memref<256xi32, #tpu.memory_space<vmem>>)
      tpu.yield
    }) : () -> ()
    %dma_start3A = arith.constant 0 : i32
    %dma_start3A_23 = arith.constant 0 : i32
    %dma_start3A_24 = tpu.memref_slice %arg2[%dma_start3A, %dma_start3A_23] : memref<8192x256xf32, #tpu.memory_space<hbm>> -> memref<8192x256xf32, #tpu.memory_space<hbm>>
    tpu.enqueue_indirect_dma source(%dma_start3A_24 : memref<8192x256xf32, #tpu.memory_space<hbm>>) target(%arg7 : memref<256x256xf32, #tpu.memory_space<vmem>>) offsets(%arg6 : memref<256xi32, #tpu.memory_space<vmem>>) semaphore(%arg11 : memref<!tpu.dma_semaphore, #tpu.memory_space<semaphore_mem>>)
    %dma_wait3A = arith.constant 0 : i32
    %dma_wait3A_25 = arith.constant 0 : i32
    %dma_wait3A_26 = tpu.memref_slice %arg2[%dma_wait3A, %dma_wait3A_25] : memref<8192x256xf32, #tpu.memory_space<hbm>> -> memref<8192x256xf32, #tpu.memory_space<hbm>>
    tpu.wait_indirect_dma semaphore(%arg11 : memref<!tpu.dma_semaphore, #tpu.memory_space<semaphore_mem>>) src(%dma_wait3A_26 : memref<8192x256xf32, #tpu.memory_space<hbm>>) dst(%arg7 : memref<256x256xf32, #tpu.memory_space<vmem>>)
    %add3A_27 = arith.constant 0 : i32
    %add3A_28 = arith.addi %mul3A_2, %add3A_27 : i32
    "tpu.region"() ({
      %run_scoped3A = tpu.sem_alloc : memref<!tpu.dma_semaphore, #tpu.memory_space<semaphore_mem>>
      %dma_start3A_65 = arith.constant 0 : i32
      %dma_start3A_66 = tpu.memref_slice %arg4[%add3A_28, %dma_start3A_65] : memref<32768x256xf32, #tpu.memory_space<hbm>> -> memref<256x256xf32, #tpu.memory_space<hbm>>
      %dma_start3A_67 = arith.constant 0 : i32
      %dma_start3A_68 = tpu.memref_slice %arg4[%add3A_28, %dma_start3A_67] : memref<32768x256xf32, #tpu.memory_space<hbm>> -> memref<256x256xf32, #tpu.memory_space<hbm>>
      tpu.enqueue_dma source(%arg7 : memref<256x256xf32, #tpu.memory_space<vmem>>) target(%dma_start3A_68 : memref<256x256xf32, #tpu.memory_space<hbm>>) target_semaphore(%run_scoped3A : memref<!tpu.dma_semaphore, #tpu.memory_space<semaphore_mem>>)
      %dma_wait3A_69 = arith.constant 0 : i32
      %dma_wait3A_70 = tpu.memref_slice %arg4[%add3A_28, %dma_wait3A_69] : memref<32768x256xf32, #tpu.memory_space<hbm>> -> memref<256x256xf32, #tpu.memory_space<hbm>>
      %dma_wait3A_71 = arith.constant 0 : i32
      %dma_wait3A_72 = tpu.memref_slice %arg4[%add3A_28, %dma_wait3A_71] : memref<32768x256xf32, #tpu.memory_space<hbm>> -> memref<256x256xf32, #tpu.memory_space<hbm>>
      tpu.wait_dma2 semaphore(%run_scoped3A : memref<!tpu.dma_semaphore, #tpu.memory_space<semaphore_mem>>) src(%arg7 : memref<256x256xf32, #tpu.memory_space<vmem>>) dst(%dma_wait3A_72 : memref<256x256xf32, #tpu.memory_space<hbm>>)
      tpu.yield
    }) : () -> ()
    "tpu.region"() ({
      %run_scoped3A = tpu.sem_alloc : memref<!tpu.dma_semaphore, #tpu.memory_space<semaphore_mem>>
      %dma_start3A_65 = arith.constant 0 : i32
      %dma_start3A_66 = tpu.memref_slice %arg10[%dma_start3A_65] : memref<8192xf32, #tpu.memory_space<vmem_shared>> -> memref<8192xf32, #tpu.memory_space<vmem_shared>>
      tpu.enqueue_indirect_dma source(%arg8 : memref<256xf32, #tpu.memory_space<vmem>>) target(%dma_start3A_66 : memref<8192xf32, #tpu.memory_space<vmem_shared>>) offsets(%arg6 : memref<256xi32, #tpu.memory_space<vmem>>) semaphore(%run_scoped3A : memref<!tpu.dma_semaphore, #tpu.memory_space<semaphore_mem>>) {add = true}
      %dma_wait3A_67 = arith.constant 0 : i32
      %dma_wait3A_68 = tpu.memref_slice %arg10[%dma_wait3A_67] : memref<8192xf32, #tpu.memory_space<vmem_shared>> -> memref<8192xf32, #tpu.memory_space<vmem_shared>>
      tpu.wait_indirect_dma semaphore(%run_scoped3A : memref<!tpu.dma_semaphore, #tpu.memory_space<semaphore_mem>>) src(%arg8 : memref<256xf32, #tpu.memory_space<vmem>>) dst(%dma_wait3A_68 : memref<8192xf32, #tpu.memory_space<vmem_shared>>)
      tpu.yield
    }) : () -> ()
    %add3A_29 = arith.constant 256 : i32
    %add3A_30 = arith.addi %mul3A_2, %add3A_29 : i32
    "tpu.region"() ({
      %run_scoped3A = tpu.sem_alloc : memref<!tpu.dma_semaphore, #tpu.memory_space<semaphore_mem>>
      %dma_start3A_65 = tpu.memref_slice %arg3[%add3A_30] : memref<32768xi32, #tpu.memory_space<hbm>> -> memref<256xi32, #tpu.memory_space<hbm>>
      %dma_start3A_66 = tpu.memref_slice %arg3[%add3A_30] : memref<32768xi32, #tpu.memory_space<hbm>> -> memref<256xi32, #tpu.memory_space<hbm>>
      tpu.enqueue_dma source(%dma_start3A_66 : memref<256xi32, #tpu.memory_space<hbm>>) target(%arg6 : memref<256xi32, #tpu.memory_space<vmem>>) target_semaphore(%run_scoped3A : memref<!tpu.dma_semaphore, #tpu.memory_space<semaphore_mem>>)
      %dma_wait3A_67 = tpu.memref_slice %arg3[%add3A_30] : memref<32768xi32, #tpu.memory_space<hbm>> -> memref<256xi32, #tpu.memory_space<hbm>>
      %dma_wait3A_68 = tpu.memref_slice %arg3[%add3A_30] : memref<32768xi32, #tpu.memory_space<hbm>> -> memref<256xi32, #tpu.memory_space<hbm>>
      tpu.wait_dma2 semaphore(%run_scoped3A : memref<!tpu.dma_semaphore, #tpu.memory_space<semaphore_mem>>) src(%dma_wait3A_68 : memref<256xi32, #tpu.memory_space<hbm>>) dst(%arg6 : memref<256xi32, #tpu.memory_space<vmem>>)
      tpu.yield
    }) : () -> ()
    %dma_start3A_31 = arith.constant 0 : i32
    %dma_start3A_32 = arith.constant 0 : i32
    %dma_start3A_33 = tpu.memref_slice %arg2[%dma_start3A_31, %dma_start3A_32] : memref<8192x256xf32, #tpu.memory_space<hbm>> -> memref<8192x256xf32, #tpu.memory_space<hbm>>
    tpu.enqueue_indirect_dma source(%dma_start3A_33 : memref<8192x256xf32, #tpu.memory_space<hbm>>) target(%arg7 : memref<256x256xf32, #tpu.memory_space<vmem>>) offsets(%arg6 : memref<256xi32, #tpu.memory_space<vmem>>) semaphore(%arg11 : memref<!tpu.dma_semaphore, #tpu.memory_space<semaphore_mem>>)
    %dma_wait3A_34 = arith.constant 0 : i32
    %dma_wait3A_35 = arith.constant 0 : i32
    %dma_wait3A_36 = tpu.memref_slice %arg2[%dma_wait3A_34, %dma_wait3A_35] : memref<8192x256xf32, #tpu.memory_space<hbm>> -> memref<8192x256xf32, #tpu.memory_space<hbm>>
    tpu.wait_indirect_dma semaphore(%arg11 : memref<!tpu.dma_semaphore, #tpu.memory_space<semaphore_mem>>) src(%dma_wait3A_36 : memref<8192x256xf32, #tpu.memory_space<hbm>>) dst(%arg7 : memref<256x256xf32, #tpu.memory_space<vmem>>)
    %add3A_37 = arith.constant 256 : i32
    %add3A_38 = arith.addi %mul3A_2, %add3A_37 : i32
    "tpu.region"() ({
      %run_scoped3A = tpu.sem_alloc : memref<!tpu.dma_semaphore, #tpu.memory_space<semaphore_mem>>
      %dma_start3A_65 = arith.constant 0 : i32
      %dma_start3A_66 = tpu.memref_slice %arg4[%add3A_38, %dma_start3A_65] : memref<32768x256xf32, #tpu.memory_space<hbm>> -> memref<256x256xf32, #tpu.memory_space<hbm>>
      %dma_start3A_67 = arith.constant 0 : i32
      %dma_start3A_68 = tpu.memref_slice %arg4[%add3A_38, %dma_start3A_67] : memref<32768x256xf32, #tpu.memory_space<hbm>> -> memref<256x256xf32, #tpu.memory_space<hbm>>
      tpu.enqueue_dma source(%arg7 : memref<256x256xf32, #tpu.memory_space<vmem>>) target(%dma_start3A_68 : memref<256x256xf32, #tpu.memory_space<hbm>>) target_semaphore(%run_scoped3A : memref<!tpu.dma_semaphore, #tpu.memory_space<semaphore_mem>>)
      %dma_wait3A_69 = arith.constant 0 : i32
      %dma_wait3A_70 = tpu.memref_slice %arg4[%add3A_38, %dma_wait3A_69] : memref<32768x256xf32, #tpu.memory_space<hbm>> -> memref<256x256xf32, #tpu.memory_space<hbm>>
      %dma_wait3A_71 = arith.constant 0 : i32
      %dma_wait3A_72 = tpu.memref_slice %arg4[%add3A_38, %dma_wait3A_71] : memref<32768x256xf32, #tpu.memory_space<hbm>> -> memref<256x256xf32, #tpu.memory_space<hbm>>
      tpu.wait_dma2 semaphore(%run_scoped3A : memref<!tpu.dma_semaphore, #tpu.memory_space<semaphore_mem>>) src(%arg7 : memref<256x256xf32, #tpu.memory_space<vmem>>) dst(%dma_wait3A_72 : memref<256x256xf32, #tpu.memory_space<hbm>>)
      tpu.yield
    }) : () -> ()
    "tpu.region"() ({
      %run_scoped3A = tpu.sem_alloc : memref<!tpu.dma_semaphore, #tpu.memory_space<semaphore_mem>>
      %dma_start3A_65 = arith.constant 0 : i32
      %dma_start3A_66 = tpu.memref_slice %arg10[%dma_start3A_65] : memref<8192xf32, #tpu.memory_space<vmem_shared>> -> memref<8192xf32, #tpu.memory_space<vmem_shared>>
      tpu.enqueue_indirect_dma source(%arg8 : memref<256xf32, #tpu.memory_space<vmem>>) target(%dma_start3A_66 : memref<8192xf32, #tpu.memory_space<vmem_shared>>) offsets(%arg6 : memref<256xi32, #tpu.memory_space<vmem>>) semaphore(%run_scoped3A : memref<!tpu.dma_semaphore, #tpu.memory_space<semaphore_mem>>) {add = true}
      %dma_wait3A_67 = arith.constant 0 : i32
      %dma_wait3A_68 = tpu.memref_slice %arg10[%dma_wait3A_67] : memref<8192xf32, #tpu.memory_space<vmem_shared>> -> memref<8192xf32, #tpu.memory_space<vmem_shared>>
      tpu.wait_indirect_dma semaphore(%run_scoped3A : memref<!tpu.dma_semaphore, #tpu.memory_space<semaphore_mem>>) src(%arg8 : memref<256xf32, #tpu.memory_space<vmem>>) dst(%dma_wait3A_68 : memref<8192xf32, #tpu.memory_space<vmem_shared>>)
      tpu.yield
    }) : () -> ()
    %add3A_39 = arith.constant 512 : i32
    %add3A_40 = arith.addi %mul3A_2, %add3A_39 : i32
    "tpu.region"() ({
      %run_scoped3A = tpu.sem_alloc : memref<!tpu.dma_semaphore, #tpu.memory_space<semaphore_mem>>
      %dma_start3A_65 = tpu.memref_slice %arg3[%add3A_40] : memref<32768xi32, #tpu.memory_space<hbm>> -> memref<256xi32, #tpu.memory_space<hbm>>
      %dma_start3A_66 = tpu.memref_slice %arg3[%add3A_40] : memref<32768xi32, #tpu.memory_space<hbm>> -> memref<256xi32, #tpu.memory_space<hbm>>
      tpu.enqueue_dma source(%dma_start3A_66 : memref<256xi32, #tpu.memory_space<hbm>>) target(%arg6 : memref<256xi32, #tpu.memory_space<vmem>>) target_semaphore(%run_scoped3A : memref<!tpu.dma_semaphore, #tpu.memory_space<semaphore_mem>>)
      %dma_wait3A_67 = tpu.memref_slice %arg3[%add3A_40] : memref<32768xi32, #tpu.memory_space<hbm>> -> memref<256xi32, #tpu.memory_space<hbm>>
      %dma_wait3A_68 = tpu.memref_slice %arg3[%add3A_40] : memref<32768xi32, #tpu.memory_space<hbm>> -> memref<256xi32, #tpu.memory_space<hbm>>
      tpu.wait_dma2 semaphore(%run_scoped3A : memref<!tpu.dma_semaphore, #tpu.memory_space<semaphore_mem>>) src(%dma_wait3A_68 : memref<256xi32, #tpu.memory_space<hbm>>) dst(%arg6 : memref<256xi32, #tpu.memory_space<vmem>>)
      tpu.yield
    }) : () -> ()
    %dma_start3A_41 = arith.constant 0 : i32
    %dma_start3A_42 = arith.constant 0 : i32
    %dma_start3A_43 = tpu.memref_slice %arg2[%dma_start3A_41, %dma_start3A_42] : memref<8192x256xf32, #tpu.memory_space<hbm>> -> memref<8192x256xf32, #tpu.memory_space<hbm>>
    tpu.enqueue_indirect_dma source(%dma_start3A_43 : memref<8192x256xf32, #tpu.memory_space<hbm>>) target(%arg7 : memref<256x256xf32, #tpu.memory_space<vmem>>) offsets(%arg6 : memref<256xi32, #tpu.memory_space<vmem>>) semaphore(%arg11 : memref<!tpu.dma_semaphore, #tpu.memory_space<semaphore_mem>>)
    %dma_wait3A_44 = arith.constant 0 : i32
    %dma_wait3A_45 = arith.constant 0 : i32
    %dma_wait3A_46 = tpu.memref_slice %arg2[%dma_wait3A_44, %dma_wait3A_45] : memref<8192x256xf32, #tpu.memory_space<hbm>> -> memref<8192x256xf32, #tpu.memory_space<hbm>>
    tpu.wait_indirect_dma semaphore(%arg11 : memref<!tpu.dma_semaphore, #tpu.memory_space<semaphore_mem>>) src(%dma_wait3A_46 : memref<8192x256xf32, #tpu.memory_space<hbm>>) dst(%arg7 : memref<256x256xf32, #tpu.memory_space<vmem>>)
    %add3A_47 = arith.constant 512 : i32
    %add3A_48 = arith.addi %mul3A_2, %add3A_47 : i32
    "tpu.region"() ({
      %run_scoped3A = tpu.sem_alloc : memref<!tpu.dma_semaphore, #tpu.memory_space<semaphore_mem>>
      %dma_start3A_65 = arith.constant 0 : i32
      %dma_start3A_66 = tpu.memref_slice %arg4[%add3A_48, %dma_start3A_65] : memref<32768x256xf32, #tpu.memory_space<hbm>> -> memref<256x256xf32, #tpu.memory_space<hbm>>
      %dma_start3A_67 = arith.constant 0 : i32
      %dma_start3A_68 = tpu.memref_slice %arg4[%add3A_48, %dma_start3A_67] : memref<32768x256xf32, #tpu.memory_space<hbm>> -> memref<256x256xf32, #tpu.memory_space<hbm>>
      tpu.enqueue_dma source(%arg7 : memref<256x256xf32, #tpu.memory_space<vmem>>) target(%dma_start3A_68 : memref<256x256xf32, #tpu.memory_space<hbm>>) target_semaphore(%run_scoped3A : memref<!tpu.dma_semaphore, #tpu.memory_space<semaphore_mem>>)
      %dma_wait3A_69 = arith.constant 0 : i32
      %dma_wait3A_70 = tpu.memref_slice %arg4[%add3A_48, %dma_wait3A_69] : memref<32768x256xf32, #tpu.memory_space<hbm>> -> memref<256x256xf32, #tpu.memory_space<hbm>>
      %dma_wait3A_71 = arith.constant 0 : i32
      %dma_wait3A_72 = tpu.memref_slice %arg4[%add3A_48, %dma_wait3A_71] : memref<32768x256xf32, #tpu.memory_space<hbm>> -> memref<256x256xf32, #tpu.memory_space<hbm>>
      tpu.wait_dma2 semaphore(%run_scoped3A : memref<!tpu.dma_semaphore, #tpu.memory_space<semaphore_mem>>) src(%arg7 : memref<256x256xf32, #tpu.memory_space<vmem>>) dst(%dma_wait3A_72 : memref<256x256xf32, #tpu.memory_space<hbm>>)
      tpu.yield
    }) : () -> ()
    "tpu.region"() ({
      %run_scoped3A = tpu.sem_alloc : memref<!tpu.dma_semaphore, #tpu.memory_space<semaphore_mem>>
      %dma_start3A_65 = arith.constant 0 : i32
      %dma_start3A_66 = tpu.memref_slice %arg10[%dma_start3A_65] : memref<8192xf32, #tpu.memory_space<vmem_shared>> -> memref<8192xf32, #tpu.memory_space<vmem_shared>>
      tpu.enqueue_indirect_dma source(%arg8 : memref<256xf32, #tpu.memory_space<vmem>>) target(%dma_start3A_66 : memref<8192xf32, #tpu.memory_space<vmem_shared>>) offsets(%arg6 : memref<256xi32, #tpu.memory_space<vmem>>) semaphore(%run_scoped3A : memref<!tpu.dma_semaphore, #tpu.memory_space<semaphore_mem>>) {add = true}
      %dma_wait3A_67 = arith.constant 0 : i32
      %dma_wait3A_68 = tpu.memref_slice %arg10[%dma_wait3A_67] : memref<8192xf32, #tpu.memory_space<vmem_shared>> -> memref<8192xf32, #tpu.memory_space<vmem_shared>>
      tpu.wait_indirect_dma semaphore(%run_scoped3A : memref<!tpu.dma_semaphore, #tpu.memory_space<semaphore_mem>>) src(%arg8 : memref<256xf32, #tpu.memory_space<vmem>>) dst(%dma_wait3A_68 : memref<8192xf32, #tpu.memory_space<vmem_shared>>)
      tpu.yield
    }) : () -> ()
    %add3A_49 = arith.constant 768 : i32
    %add3A_50 = arith.addi %mul3A_2, %add3A_49 : i32
    "tpu.region"() ({
      %run_scoped3A = tpu.sem_alloc : memref<!tpu.dma_semaphore, #tpu.memory_space<semaphore_mem>>
      %dma_start3A_65 = tpu.memref_slice %arg3[%add3A_50] : memref<32768xi32, #tpu.memory_space<hbm>> -> memref<256xi32, #tpu.memory_space<hbm>>
      %dma_start3A_66 = tpu.memref_slice %arg3[%add3A_50] : memref<32768xi32, #tpu.memory_space<hbm>> -> memref<256xi32, #tpu.memory_space<hbm>>
      tpu.enqueue_dma source(%dma_start3A_66 : memref<256xi32, #tpu.memory_space<hbm>>) target(%arg6 : memref<256xi32, #tpu.memory_space<vmem>>) target_semaphore(%run_scoped3A : memref<!tpu.dma_semaphore, #tpu.memory_space<semaphore_mem>>)
      %dma_wait3A_67 = tpu.memref_slice %arg3[%add3A_50] : memref<32768xi32, #tpu.memory_space<hbm>> -> memref<256xi32, #tpu.memory_space<hbm>>
      %dma_wait3A_68 = tpu.memref_slice %arg3[%add3A_50] : memref<32768xi32, #tpu.memory_space<hbm>> -> memref<256xi32, #tpu.memory_space<hbm>>
      tpu.wait_dma2 semaphore(%run_scoped3A : memref<!tpu.dma_semaphore, #tpu.memory_space<semaphore_mem>>) src(%dma_wait3A_68 : memref<256xi32, #tpu.memory_space<hbm>>) dst(%arg6 : memref<256xi32, #tpu.memory_space<vmem>>)
      tpu.yield
    }) : () -> ()
    %dma_start3A_51 = arith.constant 0 : i32
    %dma_start3A_52 = arith.constant 0 : i32
    %dma_start3A_53 = tpu.memref_slice %arg2[%dma_start3A_51, %dma_start3A_52] : memref<8192x256xf32, #tpu.memory_space<hbm>> -> memref<8192x256xf32, #tpu.memory_space<hbm>>
    tpu.enqueue_indirect_dma source(%dma_start3A_53 : memref<8192x256xf32, #tpu.memory_space<hbm>>) target(%arg7 : memref<256x256xf32, #tpu.memory_space<vmem>>) offsets(%arg6 : memref<256xi32, #tpu.memory_space<vmem>>) semaphore(%arg11 : memref<!tpu.dma_semaphore, #tpu.memory_space<semaphore_mem>>)
    %dma_wait3A_54 = arith.constant 0 : i32
    %dma_wait3A_55 = arith.constant 0 : i32
    %dma_wait3A_56 = tpu.memref_slice %arg2[%dma_wait3A_54, %dma_wait3A_55] : memref<8192x256xf32, #tpu.memory_space<hbm>> -> memref<8192x256xf32, #tpu.memory_space<hbm>>
    tpu.wait_indirect_dma semaphore(%arg11 : memref<!tpu.dma_semaphore, #tpu.memory_space<semaphore_mem>>) src(%dma_wait3A_56 : memref<8192x256xf32, #tpu.memory_space<hbm>>) dst(%arg7 : memref<256x256xf32, #tpu.memory_space<vmem>>)
    %add3A_57 = arith.constant 768 : i32
    %add3A_58 = arith.addi %mul3A_2, %add3A_57 : i32
    "tpu.region"() ({
      %run_scoped3A = tpu.sem_alloc : memref<!tpu.dma_semaphore, #tpu.memory_space<semaphore_mem>>
      %dma_start3A_65 = arith.constant 0 : i32
      %dma_start3A_66 = tpu.memref_slice %arg4[%add3A_58, %dma_start3A_65] : memref<32768x256xf32, #tpu.memory_space<hbm>> -> memref<256x256xf32, #tpu.memory_space<hbm>>
      %dma_start3A_67 = arith.constant 0 : i32
      %dma_start3A_68 = tpu.memref_slice %arg4[%add3A_58, %dma_start3A_67] : memref<32768x256xf32, #tpu.memory_space<hbm>> -> memref<256x256xf32, #tpu.memory_space<hbm>>
      tpu.enqueue_dma source(%arg7 : memref<256x256xf32, #tpu.memory_space<vmem>>) target(%dma_start3A_68 : memref<256x256xf32, #tpu.memory_space<hbm>>) target_semaphore(%run_scoped3A : memref<!tpu.dma_semaphore, #tpu.memory_space<semaphore_mem>>)
      %dma_wait3A_69 = arith.constant 0 : i32
      %dma_wait3A_70 = tpu.memref_slice %arg4[%add3A_58, %dma_wait3A_69] : memref<32768x256xf32, #tpu.memory_space<hbm>> -> memref<256x256xf32, #tpu.memory_space<hbm>>
      %dma_wait3A_71 = arith.constant 0 : i32
      %dma_wait3A_72 = tpu.memref_slice %arg4[%add3A_58, %dma_wait3A_71] : memref<32768x256xf32, #tpu.memory_space<hbm>> -> memref<256x256xf32, #tpu.memory_space<hbm>>
      tpu.wait_dma2 semaphore(%run_scoped3A : memref<!tpu.dma_semaphore, #tpu.memory_space<semaphore_mem>>) src(%arg7 : memref<256x256xf32, #tpu.memory_space<vmem>>) dst(%dma_wait3A_72 : memref<256x256xf32, #tpu.memory_space<hbm>>)
      tpu.yield
    }) : () -> ()
    "tpu.region"() ({
      %run_scoped3A = tpu.sem_alloc : memref<!tpu.dma_semaphore, #tpu.memory_space<semaphore_mem>>
      %dma_start3A_65 = arith.constant 0 : i32
      %dma_start3A_66 = tpu.memref_slice %arg10[%dma_start3A_65] : memref<8192xf32, #tpu.memory_space<vmem_shared>> -> memref<8192xf32, #tpu.memory_space<vmem_shared>>
      tpu.enqueue_indirect_dma source(%arg8 : memref<256xf32, #tpu.memory_space<vmem>>) target(%dma_start3A_66 : memref<8192xf32, #tpu.memory_space<vmem_shared>>) offsets(%arg6 : memref<256xi32, #tpu.memory_space<vmem>>) semaphore(%run_scoped3A : memref<!tpu.dma_semaphore, #tpu.memory_space<semaphore_mem>>) {add = true}
      %dma_wait3A_67 = arith.constant 0 : i32
      %dma_wait3A_68 = tpu.memref_slice %arg10[%dma_wait3A_67] : memref<8192xf32, #tpu.memory_space<vmem_shared>> -> memref<8192xf32, #tpu.memory_space<vmem_shared>>
      tpu.wait_indirect_dma semaphore(%run_scoped3A : memref<!tpu.dma_semaphore, #tpu.memory_space<semaphore_mem>>) src(%arg8 : memref<256xf32, #tpu.memory_space<vmem>>) dst(%dma_wait3A_68 : memref<8192xf32, #tpu.memory_space<vmem_shared>>)
      tpu.yield
    }) : () -> ()
    %barrier3A_59 = arith.constant 0 : index
    tpu.barrier barrier_id(%barrier3A_59)
    %eq3A_60 = arith.constant 0 : i32
    %eq3A_61 = arith.cmpi eq, %arg1, %eq3A_60 : i32
    %convert_element_type3A_62 = arith.extui %eq3A_61 : i1 to i32
    %cond3A_63 = arith.constant 0 : i32
    %cond3A_64 = arith.cmpi ne, %convert_element_type3A_62, %cond3A_63 : i32
    scf.if %cond3A_64 {
      "tpu.region"() ({
        %run_scoped3A = tpu.sem_alloc : memref<!tpu.dma_semaphore, #tpu.memory_space<semaphore_mem>>
        %dma_start3A_65 = arith.constant 0 : i32
        %dma_start3A_66 = tpu.memref_slice %arg5[%arg0, %dma_start3A_65] : memref<2x8192xf32, #tpu.memory_space<hbm>> -> memref<1x8192xf32, #tpu.memory_space<hbm>>
        %dma_start3A_67 = tpu.memref_squeeze %dma_start3A_66 : memref<1x8192xf32, #tpu.memory_space<hbm>> -> memref<8192xf32, #tpu.memory_space<hbm>>
        tpu.enqueue_dma source(%arg10 : memref<8192xf32, #tpu.memory_space<vmem_shared>>) target(%dma_start3A_67 : memref<8192xf32, #tpu.memory_space<hbm>>) target_semaphore(%run_scoped3A : memref<!tpu.dma_semaphore, #tpu.memory_space<semaphore_mem>>)
        %dma_wait3A_68 = arith.constant 0 : i32
        %dma_wait3A_69 = tpu.memref_slice %arg5[%arg0, %dma_wait3A_68] : memref<2x8192xf32, #tpu.memory_space<hbm>> -> memref<1x8192xf32, #tpu.memory_space<hbm>>
        %dma_wait3A_70 = tpu.memref_squeeze %dma_wait3A_69 : memref<1x8192xf32, #tpu.memory_space<hbm>> -> memref<8192xf32, #tpu.memory_space<hbm>>
        tpu.wait_dma2 semaphore(%run_scoped3A : memref<!tpu.dma_semaphore, #tpu.memory_space<semaphore_mem>>) src(%arg10 : memref<8192xf32, #tpu.memory_space<vmem_shared>>) dst(%dma_wait3A_70 : memref<8192xf32, #tpu.memory_space<hbm>>)
        tpu.yield
      }) : () -> ()
    } else {
    }
    return
  }
}

module attributes {stable_mosaic.version = 14 : i64} {
  func.func @_vq_body(%arg0: i32, %arg1: memref<512x256xf32, #tpu.memory_space<vmem>>, %arg2: memref<8192x256xf32, #tpu.memory_space<vmem>>, %arg3: memref<1x1x512xi32, #tpu.memory_space<vmem>>, %arg4: memref<1x1xf32, #tpu.memory_space<smem>>, %arg5: memref<8192xf32, #tpu.memory_space<vmem>>, %arg6: memref<1xf32, #tpu.memory_space<smem>>) attributes {dimension_semantics = [#tpu.dimension_semantics<arbitrary>], iteration_bounds = array<i64: 64>, scalar_prefetch = 0 : i64, scratch_operands = 2 : i64, tpu.core_type = #tpu.core_type<tc>, window_params = [{transform_indices = @transform_0, window_bounds = array<i64: 512, 256>}, {pipeline_mode = #tpu.pipeline_mode<synchronous>, transform_indices = @transform_1, window_bounds = array<i64: 8192, 256>}, {transform_indices = @transform_2, window_bounds = array<i64: 1, 1, 512>}, {transform_indices = @transform_3, window_bounds = array<i64: 1, 1>}]} {
    %eq3A = arith.constant 0 : i32
    %eq3A_0 = arith.cmpi eq, %arg0, %eq3A : i32
    %convert_element_type3A = arith.extui %eq3A_0 : i1 to i32
    %cond3A = arith.constant 0 : i32
    %cond3A_1 = arith.cmpi ne, %convert_element_type3A, %cond3A : i32
    scf.if %cond3A_1 {
      %get3A_44 = arith.constant 0 : index
      %get3A_45 = arith.constant 0 : index
      %get3A_46 = vector.load %arg2[%get3A_44, %get3A_45] : memref<8192x256xf32, #tpu.memory_space<vmem>>, vector<8192x256xf32>
      %mul3A_47 = arith.mulf %get3A_46, %get3A_46 : vector<8192x256xf32>
      %reduce_sum3A_48 = arith.constant dense<0.000000e+00> : vector<8192xf32>
      %reduce_sum3A_49 = vector.multi_reduction <add>, %mul3A_47, %reduce_sum3A_48 [1] : vector<8192x256xf32> to vector<8192xf32>
      %swap3A_50 = arith.constant 0 : index
      %swap3A_51 = vector.load %arg5[%swap3A_50] : memref<8192xf32, #tpu.memory_space<vmem>>, vector<8192xf32>
      tpu.vector_store %arg5[%swap3A_50], %reduce_sum3A_49 {strides = array<i32>} : memref<8192xf32, #tpu.memory_space<vmem>>, vector<8192xf32>,
      %swap3A_52 = arith.constant 0.000000e+00 : f32
      %swap3A_53 = arith.constant 0 : index
      %swap3A_54 = memref.load %arg6[%swap3A_53] : memref<1xf32, #tpu.memory_space<smem>>
      memref.store %swap3A_52, %arg6[%swap3A_53] : memref<1xf32, #tpu.memory_space<smem>>
    } else {
    }
    %get3A = arith.constant 0 : index
    %get3A_2 = arith.constant 0 : index
    %get3A_3 = vector.load %arg1[%get3A, %get3A_2] : memref<512x256xf32, #tpu.memory_space<vmem>>, vector<512x256xf32>
    %mul3A = arith.mulf %get3A_3, %get3A_3 : vector<512x256xf32>
    %reduce_sum3A = arith.constant dense<0.000000e+00> : vector<512xf32>
    %reduce_sum3A_4 = vector.multi_reduction <add>, %mul3A, %reduce_sum3A [1] : vector<512x256xf32> to vector<512xf32>
    %broadcast_in_dim3A = vector.shape_cast %reduce_sum3A_4 : vector<512xf32> to vector<512x1xf32>
    %add3A = arith.addf %get3A_3, %get3A_3 : vector<512x256xf32>
    %get3A_5 = arith.constant 0 : index
    %get3A_6 = arith.constant 0 : index
    %get3A_7 = vector.load %arg2[%get3A_5, %get3A_6] : memref<8192x256xf32, #tpu.memory_space<vmem>>, vector<8192x256xf32>
    %dot_general3A = arith.constant dense<0.000000e+00> : vector<512x8192xf32>
    %dot_general3A_8 = tpu.matmul %add3A, %get3A_7, %dot_general3A {dimension_numbers = #tpu.dot_dimension_numbers<[1], [1], [0], [0], [0, 0, 1, 0], [], []>, transpose_lhs_hint = false} : vector<512x256xf32>, vector<8192x256xf32>, vector<512x8192xf32> -> vector<512x8192xf32>
    %get3A_9 = arith.constant 0 : index
    %get3A_10 = vector.load %arg5[%get3A_9] : memref<8192xf32, #tpu.memory_space<vmem>>, vector<8192xf32>
    %broadcast_in_dim3A_11 = vector.shape_cast %get3A_10 : vector<8192xf32> to vector<1x8192xf32>
    %add3A_12 = vector.broadcast %broadcast_in_dim3A : vector<512x1xf32> to vector<512x8192xf32>
    %add3A_13 = vector.broadcast %broadcast_in_dim3A_11 : vector<1x8192xf32> to vector<512x8192xf32>
    %add3A_14 = arith.addf %add3A_12, %add3A_13 : vector<512x8192xf32>
    %sub3A = arith.subf %add3A_14, %dot_general3A_8 : vector<512x8192xf32>
    %max3A = arith.constant 0.000000e+00 : f32
    %max3A_15 = vector.broadcast %max3A : f32 to vector<512x8192xf32>
    %max3A_16 = arith.maximumf %sub3A, %max3A_15 : vector<512x8192xf32>
    %reduce_min3A = arith.constant dense<0x7F800000> : vector<512xf32>
    %reduce_min3A_17 = vector.multi_reduction <minimumf>, %max3A_16, %reduce_min3A [1] : vector<512x8192xf32> to vector<512xf32>
    %broadcast_in_dim3A_18 = vector.shape_cast %reduce_min3A_17 : vector<512xf32> to vector<512x1xf32>
    %iota3A = tpu.iota {dimensions = array<i32: 1>} : vector<512x8192xi32>
    %eq3A_19 = vector.broadcast %broadcast_in_dim3A_18 : vector<512x1xf32> to vector<512x8192xf32>
    %eq3A_20 = arith.cmpf oeq, %max3A_16, %eq3A_19 : vector<512x8192xf32>
    %jit3A = arith.constant 8192 : i32
    %broadcast_in_dim3A_21 = vector.broadcast %jit3A : i32 to vector<512x8192xi32>
    %select_n3A = arith.select %eq3A_20, %iota3A, %broadcast_in_dim3A_21 : vector<512x8192xi1>, vector<512x8192xi32>
    %reduce_min3A_22 = arith.constant dense<2147483647> : vector<512xi32>
    %reduce_min3A_23 = vector.multi_reduction <minsi>, %select_n3A, %reduce_min3A_22 [1] : vector<512x8192xi32> to vector<512xi32>
    %swap3A = arith.constant 0 : index
    %swap3A_24 = arith.constant 0 : index
    %swap3A_25 = arith.constant 0 : index
    %swap3A_26 = vector.load %arg3[%swap3A, %swap3A_24, %swap3A_25] : memref<1x1x512xi32, #tpu.memory_space<vmem>>, vector<1x1x512xi32>
    %swap3A_27 = vector.shape_cast %swap3A_26 : vector<1x1x512xi32> to vector<512xi32>
    %swap3A_28 = vector.shape_cast %reduce_min3A_23 : vector<512xi32> to vector<1x1x512xi32>
    tpu.vector_store %arg3[%swap3A, %swap3A_24, %swap3A_25], %swap3A_28 {strides = array<i32>} : memref<1x1x512xi32, #tpu.memory_space<vmem>>, vector<1x1x512xi32>,
    %get3A_29 = arith.constant 0 : index
    %get3A_30 = memref.load %arg6[%get3A_29] : memref<1xf32, #tpu.memory_space<smem>>
    %reduce_sum3A_31 = vector.shape_cast %broadcast_in_dim3A_18 : vector<512x1xf32> to vector<1x512x1xf32>
    %reduce_sum3A_32 = arith.constant dense<0.000000e+00> : vector<1xf32>
    %reduce_sum3A_33 = vector.multi_reduction <add>, %reduce_sum3A_31, %reduce_sum3A_32 [1, 2] : vector<1x512x1xf32> to vector<1xf32>
    %reduce_sum3A_34 = vector.shape_cast %reduce_sum3A_33 : vector<1xf32> to vector<1x1x1xf32>
    %reduce_sum3A_35 = vector.extract %reduce_sum3A_34[0, 0, 0] : f32 from vector<1x1x1xf32>
    %add3A_36 = arith.addf %get3A_30, %reduce_sum3A_35 : f32
    %swap3A_37 = arith.constant 0 : index
    %swap3A_38 = memref.load %arg6[%swap3A_37] : memref<1xf32, #tpu.memory_space<smem>>
    memref.store %add3A_36, %arg6[%swap3A_37] : memref<1xf32, #tpu.memory_space<smem>>
    %eq3A_39 = arith.constant 63 : i32
    %eq3A_40 = arith.cmpi eq, %arg0, %eq3A_39 : i32
    %convert_element_type3A_41 = arith.extui %eq3A_40 : i1 to i32
    %cond3A_42 = arith.constant 0 : i32
    %cond3A_43 = arith.cmpi ne, %convert_element_type3A_41, %cond3A_42 : i32
    scf.if %cond3A_43 {
      %get3A_44 = arith.constant 0 : index
      %get3A_45 = memref.load %arg6[%get3A_44] : memref<1xf32, #tpu.memory_space<smem>>
      %mul3A_46 = arith.constant 1.000000e-01 : f32
      %mul3A_47 = arith.mulf %mul3A_46, %get3A_45 : f32
      %div3A = arith.constant 0x4B000000 : f32
      %div3A_48 = arith.divf %mul3A_47, %div3A : f32
      %swap3A_49 = arith.constant 0 : index
      %swap3A_50 = arith.constant 0 : index
      %swap3A_51 = memref.load %arg4[%swap3A_49, %swap3A_50] : memref<1x1xf32, #tpu.memory_space<smem>>
      memref.store %div3A_48, %arg4[%swap3A_49, %swap3A_50] : memref<1x1xf32, #tpu.memory_space<smem>>
    } else {
    }
    return
  }
  func.func @transform_0(%arg0: i32) -> (i32, i32) {
    %c0_i32 = arith.constant 0 : i32
    %c0_i32_0 = arith.constant 0 : i32
    return %arg0, %c0_i32 : i32, i32
  }
  func.func @transform_1(%arg0: i32) -> (i32, i32) {
    %c0_i32 = arith.constant 0 : i32
    %c0_i32_0 = arith.constant 0 : i32
    %c0_i32_1 = arith.constant 0 : i32
    return %c0_i32, %c0_i32_0 : i32, i32
  }
  func.func @transform_2(%arg0: i32) -> (i32, i32, i32) {
    %c0_i32 = arith.constant 0 : i32
    %c0_i32_0 = arith.constant 0 : i32
    %c0_i32_1 = arith.constant 0 : i32
    return %arg0, %c0_i32, %c0_i32_0 : i32, i32, i32
  }
  func.func @transform_3(%arg0: i32) -> (i32, i32) {
    %c0_i32 = arith.constant 0 : i32
    %c0_i32_0 = arith.constant 0 : i32
    %c0_i32_1 = arith.constant 0 : i32
    return %c0_i32, %c0_i32_0 : i32, i32
  }
}

module attributes {stable_mosaic.version = 14 : i64} {
  func.func @_perp_body(%arg0: memref<2x8192xf32, #tpu.memory_space<vmem>>, %arg1: memref<1x1xf32, #tpu.memory_space<smem>>) attributes {dimension_semantics = [], scalar_prefetch = 0 : i64, scratch_operands = 0 : i64, tpu.core_type = #tpu.core_type<tc>} {
    %get3A = arith.constant 0 : index
    %get3A_0 = arith.constant 0 : index
    %get3A_1 = vector.load %arg0[%get3A, %get3A_0] : memref<2x8192xf32, #tpu.memory_space<vmem>>, vector<2x8192xf32>
    %reduce_sum3A = arith.constant dense<0.000000e+00> : vector<8192xf32>
    %reduce_sum3A_2 = vector.multi_reduction <add>, %get3A_1, %reduce_sum3A [0] : vector<2x8192xf32> to vector<8192xf32>
    %mul3A = arith.constant 3.05175781E-5 : f32
    %mul3A_3 = vector.broadcast %mul3A : f32 to vector<8192xf32>
    %mul3A_4 = arith.mulf %reduce_sum3A_2, %mul3A_3 : vector<8192xf32>
    %add3A = arith.constant 1.000000e-10 : f32
    %add3A_5 = vector.broadcast %add3A : f32 to vector<8192xf32>
    %add3A_6 = arith.addf %mul3A_4, %add3A_5 : vector<8192xf32>
    %log3A = math.log %add3A_6 : vector<8192xf32>
    %mul3A_7 = arith.mulf %mul3A_4, %log3A : vector<8192xf32>
    %reduce_sum3A_8 = vector.shape_cast %mul3A_7 : vector<8192xf32> to vector<1x8192xf32>
    %reduce_sum3A_9 = arith.constant dense<0.000000e+00> : vector<1xf32>
    %reduce_sum3A_10 = vector.multi_reduction <add>, %reduce_sum3A_8, %reduce_sum3A_9 [1] : vector<1x8192xf32> to vector<1xf32>
    %reduce_sum3A_11 = vector.shape_cast %reduce_sum3A_10 : vector<1xf32> to vector<1x1xf32>
    %reduce_sum3A_12 = vector.extract %reduce_sum3A_11[0, 0] : f32 from vector<1x1xf32>
    %neg3A = arith.constant 0.000000e+00 : f32
    %neg3A_13 = arith.subf %neg3A, %reduce_sum3A_12 : f32
    %exp3A = math.exp %neg3A_13 : f32
    %swap3A = arith.constant 0 : index
    %swap3A_14 = arith.constant 0 : index
    %swap3A_15 = memref.load %arg1[%swap3A, %swap3A_14] : memref<1x1xf32, #tpu.memory_space<smem>>
    memref.store %exp3A, %arg1[%swap3A, %swap3A_14] : memref<1x1xf32, #tpu.memory_space<smem>>
    return
  }
}

</mosaic_0001>

<sc_bundles>
// kernel: kernel.5.cloned.1.call-start
scs
__scs_entry_jumppad:
0x0: {  	(pc) =	sbr.rel $0x88, $3  }
0x1: {  	(tag) =	ssettag $0x0;
	lr =	simm.s32 $0x1  }
0x2: {  	[smem:$0x3F9F] =	sst lr;
	_ =	strace $0xD0000000  }
0x3: {  	_ = 	snop  }
0x4: {  	_ = 	snop  }
0x5: {  	_ = 	snop  }
0x6: {  	_ = 	snop  }
0x7: {  	_ = 	snop  }
__scs_overlays_trampoline_lowered:
0x8: {  	[smem:$0x3FAE] =	sst s0  }
0x9: {  	[smem:$0x3FAF] =	sst s1  }
0xa: {  	[smem:$0x3FB0] =	sst s2  }
0xb: {  	[smem:$0x3FB1] =	sst s3  }
0xc: {  	[smem:$0x3FB2] =	sst s4  }
0xd: {  	[smem:$0x3FB3] =	sst s5  }
0xe: {  	[smem:$0x3FB4] =	sst s6  }
0xf: {  	[smem:$0x3FB5] =	sst s7  }
0x10: {  	[smem:$0x3FB6] =	sst s8  }
0x11: {  	[smem:$0x3FB7] =	sst s9;
	s0 =	simm.s32 @!p0 $0x0  }
0x12: {  	s1 =	sld [smem:$0x3F9D];
	s0 =	simm.s32 @p0 $0x1  }
0x13: {  	[smem:$0x3FB8] =	sst s0;
	s0 =	simm.s32 @!p1 $0x0  }
0x14: {  	s2 =	sld [smem:$0x3F9C];
	s0 =	simm.s32 @p1 $0x1  }
0x15: {  	[smem:$0x3FB9] =	sst s0;
	s0 =	simm.s32 @!p2 $0x0  }
0x16: {  	s3 =	sld [smem:$0x3FDB];
	s0 =	simm.s32 @p2 $0x1  }
0x17: {  	s4 =	simm.s32 $0x1BF5;
	[smem:$0x3FBB] =	sst s0  }
0x18: {  	s0 =	sld [smem:$0x3F9E];
	_ =	swait.ge [sflag:s4], $0x0  }
0x19: {  	s7 =	sld [smem:$0x3F9F]  }
0x1a: {  	s8 =	sadd.s32 $0xFFFFE003, lr  }
0x1b: {  	s9 =	sadd.s32 $0xFFFFFEF7, lr;
	s5 =	simm.s32 $0xFFFFFFFF;
	p2 =	slt.u32 s8, $0xFFFFF086  }
0x1c: {  	p1 =	slt.u32 s9, $0xF7A;
	s5 =	simm.s32 @!p2 $0x0  }
0x1d: {  	s5 =	simm.s32 @p1 $0x1;
	p0 =	seq.s32 s7, s2  }
0x1e: {  	s7 =	smul.u32 @!p0 $0xF7A, s2;
	p2 =	seq.s32 @!p0 s5, $0x0  }
0x1f: {  	s9 =	smul.u32 $0xF7A, s1;
	s8 =	simm.s32 @!p0 $0x1BF5;
	p2 =	por !p2, p0  }
0x20: {  	[sflag:s8] =	ssyncset.s32 @!p0 $0xFFFFF086;
	s6 =	sadd.s32 @!p0 s3, s7;
	s7 =	simm.s32 @!p0 $0x108  }
0x21: {  	s3 =	sadd.s32 s3, s9;
	s6 =	sadd.s32 @!p0 $0x88, s6;
	s7 =	simm.s32 @p2 $0x1082  }
0x22: {  	[simem:s7], [sflag:s8] =	dma.local @!p0 [hbm:s6], $0xF7A  }
0x23: {  	s9 =	sor.u32 $0xD0000000, s2;
	s6 =	simm.s32 $0x108;
	_ =	swait.ge @!p0 [sflag:s8], $0x0  }
0x24: {  	s3 =	sadd.s32 $0x88, s3;
	s6 =	simm.s32 @!p1 $0x1082;
	[sflag:s4] =	ssyncset.s32 $0xFFFFF086  }
0x25: {  	[simem:s6], [sflag:s4] =	dma.local [hbm:s3], $0xF7A  }
0x26: {  	[smem:$0x3F9F] =	sst s1;
	(tag) =	ssettag s2;
	_ =	strace s9  }
0x27: {  	s1 =	sld [smem:$0x3FAF]  }
0x28: {  	s2 =	sld [smem:$0x3FB0]  }
0x29: {  	s4 =	sld [smem:$0x3FB2]  }
0x2a: {  	p0 =	seq.s32 s5, $0x0;
	s5 =	sld [smem:$0x3FB3]  }
0x2b: {  	s6 =	sld [smem:$0x3FB4]  }
0x2c: {  	s7 =	sld [smem:$0x3FB5]  }
0x2d: {  	s3 =	simm.s32 $0x108;
	s8 =	sld [smem:$0x3FB6]  }
0x2e: {  	s3 =	simm.s32 @!p0 $0x1082;
	s9 =	sld [smem:$0x3FB7]  }
0x2f: {  	lr =	sadd.s32 s0, s3;
	s0 =	sld [smem:$0x3FAE]  }
0x30: {  	s3 =	sld [smem:$0x3FB1]  }
0x31: {  	[smem:$0x3FBA] =	sst s10  }
0x32: {  	s10 =	sld [smem:$0x3FB8];
	_ =	sdelay $0x3  }
0x33: {  	p0 =	seq.s32 s10, $0x1;
	s10 =	sld [smem:$0x3FBA];
	_ =	sdelay $0x3  }
0x34: {  	[smem:$0x3FBA] =	sst s10  }
0x35: {  	s10 =	sld [smem:$0x3FB9];
	_ =	sdelay $0x3  }
0x36: {  	p1 =	seq.s32 s10, $0x1;
	s10 =	sld [smem:$0x3FBA];
	_ =	sdelay $0x3  }
0x37: {  	[smem:$0x3FBA] =	sst s10  }
0x38: {  	s10 =	sld [smem:$0x3FBB]  }
0x39: {  	_ = 	snop;
	(pc) =	sbr.ind lr, $3  }
0x3a: {  	_ = 	snop  }
0x3b: {  	_ = 	snop  }
0x3c: {  	p2 =	seq.s32 s10, $0x1;
	s10 =	sld [smem:$0x3FBA]  }
0x3d: {  	_ =	shalt  }
0x3e: {  	_ =	shalt  }
0x3f: {  	_ =	shalt  }
0x40: {  	_ =	shalt  }
0x41: {  	_ =	shalt  }
0x42: {  	_ =	shalt  }
0x43: {  	_ =	shalt  }
0x44: {  	_ =	shalt  }
0x45: {  	_ =	shalt  }
0x46: {  	_ =	shalt  }
0x47: {  	_ =	shalt  }
0x48: {  	_ =	shalt  }
0x49: {  	_ =	shalt  }
0x4a: {  	_ =	shalt  }
0x4b: {  	_ =	shalt  }
0x4c: {  	_ =	shalt  }
0x4d: {  	_ =	shalt  }
0x4e: {  	_ =	shalt  }
0x4f: {  	_ =	shalt  }
0x50: {  	_ =	shalt  }
0x51: {  	_ =	shalt  }
0x52: {  	_ =	shalt  }
0x53: {  	_ =	shalt  }
0x54: {  	_ =	shalt  }
0x55: {  	_ =	shalt  }
0x56: {  	_ =	shalt  }
0x57: {  	_ =	shalt  }
0x58: {  	_ =	shalt  }
0x59: {  	_ =	shalt  }
0x5a: {  	_ =	shalt  }
0x5b: {  	_ =	shalt  }
0x5c: {  	_ =	shalt  }
0x5d: {  	_ =	shalt  }
0x5e: {  	_ =	shalt  }
0x5f: {  	_ =	shalt  }
0x60: {  	_ =	shalt  }
0x61: {  	_ =	shalt  }
0x62: {  	_ =	shalt  }
0x63: {  	_ =	shalt  }
0x64: {  	_ =	shalt  }
0x65: {  	_ =	shalt  }
0x66: {  	_ =	shalt  }
0x67: {  	_ =	shalt  }
0x68: {  	_ =	shalt  }
0x69: {  	_ =	shalt  }
0x6a: {  	_ =	shalt  }
0x6b: {  	_ =	shalt  }
0x6c: {  	_ =	shalt  }
0x6d: {  	_ =	shalt  }
0x6e: {  	_ =	shalt  }
0x6f: {  	_ =	shalt  }
0x70: {  	_ =	shalt  }
0x71: {  	_ =	shalt  }
0x72: {  	_ =	shalt  }
0x73: {  	_ =	shalt  }
0x74: {  	_ =	shalt  }
0x75: {  	_ =	shalt  }
0x76: {  	_ =	shalt  }
0x77: {  	_ =	shalt  }
0x78: {  	_ =	shalt  }
0x79: {  	_ =	shalt  }
0x7a: {  	_ =	shalt  }
0x7b: {  	_ =	shalt  }
0x7c: {  	_ =	shalt  }
0x7d: {  	_ =	shalt  }
0x7e: {  	_ =	shalt  }
0x7f: {  	_ =	shalt  }
0x80: {  	_ =	shalt  }
0x81: {  	_ =	shalt  }
0x82: {  	_ =	shalt  }
0x83: {  	_ =	shalt  }
0x84: {  	_ =	shalt  }
0x85: {  	_ =	shalt  }
0x86: {  	_ =	shalt  }
0x87: {  	_ =	shalt  }
.Lfunc_end0:
.L_simem_size_0:
called_computation_lowered:
.L_overlay_start_0:
0x88: {  	s2 =	sld [smem:$0x3FD9]  }
0x89: {  	s3 =	sld [smem:$0x3FFE];
	_ =	sdelay $0x1  }
0x8a: {  	s1 =	srdreg.scid  }
0x8b: {  	s0 =	sand.u32 $0x1, s1  }
0x8c: {  	s14 =	sshll.u32 s0, $0xA;
	s2 =	sadd.s32 s3, s2  }
0x8d: {  	s2 =	sadd.s32 s2, s14  }
0x8e: {  	[smem:$0x3FC6] =	sst s2  }
0x8f: {  	_ = 	snop  }
0x90: {  	s2 =	sld [smem:$0x3FD0];
	_ =	sdelay $0x2  }
0x91: {  	s4 =	simm.s32 $0xA;
	s5 =	simm.s32 $0x10;
	s15 =	sld [smem:$0x3FC8]  }
0x92: {  	[smem:s5], [sflag:s4] =	dma.local [hbm:s2], $0x1  }
0x93: {  	_ =	swait.eq [sflag:s4], $0x1  }
0x94: {  	[sflag:s4] =	ssyncset.done $0x0  }
0x95: {  	s16 =	sld [smem:$0x10];
	[sflag:s4] =	ssyncadd.s32 $0xFFFFFFFF  }
0x96: {  	s17 =	sld [smem:$0x11];
	(tm) =	ssettm $0x1  }
0x97: {  	s18 =	sld [smem:$0x3FFB];
	_ =	sdelay $0x3  }
0x98: {  	_ =	strace s18  }
0x99: {  	s5 =	sld [smem:$0x3FFC];
	_ =	sdelay $0x3  }
0x9a: {  	_ =	strace s5  }
0x9b: {  	s5 =	sld [smem:$0x3FFD];
	_ =	sdelay $0x3  }
0x9c: {  	_ =	strace s5  }
0x9d: {  	_ =	strace $0x8FFFFFFF  }
0x9e: {  	s19 =	sld [smem:$0x3FDB];
	_ =	sdelay $0x1  }
0x9f: {  	s6 =	simm.s32 $_scs_section_size  }
0xa0: {  	s7 =	simm.s32 $_size__tile_overlayer_lowered;
	s8 =	simm.s32 $_tile_overlayer_lowered  }
0xa1: {  	s22 =	simm.s32 $0x1BFF;
	s21 =	sshll.u32 s8, $0x1;
	s5 =	sadd.s32 s6, s19  }
0xa2: {  	s9 =	simm.s32 $0x0;
	s20 =	sshll.u32 s7, $0x1;
	s7 =	sadd.s32 s21, s5  }
0xa3: {  	[timem:s9], [sflag:s22] =	dma.local [hbm:s7], s20  }
0xa4: {  	_ =	swait.ge [sflag:s22], s20  }
0xa5: {  	s6 =	ssub.s32 $0x0, s20;
	[sflag:s22] =	ssyncset.done $0x0  }
0xa6: {  	[sflag:s22] =	ssyncadd.s32 s6;
	_ =	sdelay $0x1  }
0xa7: {  	s23 =	simm.s32 $0x1B8B  }
0xa8: {  	_ =	swait.ge [sflag:s23], $0x1  }
0xa9: {  	[sflag:s23] =	ssyncset.done $0x0  }
0xaa: {  	s25 =	simm.s32 $0x1B8E;
	s24 =	sld [smem:$0x3FFE];
	[sflag:s23] =	ssyncadd.s32 $0xFFFFFFFF  }
0xab: {  	s26 =	simm.s32 $execute0_lowered;
	[smem:$0x3FD2] =	sst s25  }
0xac: {  	s7 =	sshll.u32 s26, $0x1;
	_ =	strace $0x80000046;
	[dreg:$0x1] =	wrdreg $0xFFFFFFFF  }
0xad: {  	s28 =	simm.s32 $_size_execute0_lowered;
	s5 =	sadd.s32 s5, s7;
	[dreg:$0x0] =	wrdreg $0x0  }
0xae: {  	s7 =	sshll.u32 s28, $0x1;
	[dreg:$0x2] =	wrdreg s5  }
0xaf: {  	[dreg:$0x3] =	wrdreg s7  }
0xb0: {  	[dreg:$0x4] =	wrdreg $0xC0  }
0xb1: {  	_ =	task [dreg:s9], $0x5FFFF  }
0xb2: {  	[dreg:$0x1] =	wrdreg $0xFFFFFFFF  }
0xb3: {  	[dreg:$0x0] =	wrdreg $0x60  }
0xb4: {  	[dreg:$0x2] =	wrdreg s15  }
0xb5: {  	[dreg:$0x3] =	wrdreg s17  }
0xb6: {  	[dreg:$0x4] =	wrdreg s16  }
0xb7: {  	[dreg:$0x5] =	wrdreg s24  }
0xb8: {  	[dreg:$0x6] =	wrdreg $0x122000  }
0xb9: {  	[dreg:$0x7] =	wrdreg $0x9  }
0xba: {  	_ =	task.clear_ibuf [dreg:s9], $0x8FFFF;
	_ =	strace $0x90000046  }
0xbb: {  	s29 =	simm.s32 $0x9;
	_ =	strace $0x80000048  }
0xbc: {  	_ =	swait.ge [sflag:s29], $0x1  }
0xbd: {  	[sflag:s29] =	ssyncadd.s32 $0xFFFFFFFF  }
0xbe: {  	_ =	strace $0x90000048  }
0xbf: {  	_ =	sfence  }
0xc0: {  	s30 =	sld [smem:$0x0];
	_ =	sdelay $0x2  }
0xc1: {  	s31 =	sshll.u32 s1, $0xD;
	s1 =	sshrl.u32 s1, $0x2  }
0xc2: {  	s3 =	sand.u32 $0x4000, s31;
	s1 =	sadd.s32 s1, s30  }
0xc3: {  	s0 =	sor.u32 s3, s0;
	s1 =	sshll.u32 s1, $0x11  }
0xc4: {  	s0 =	sor.u32 s1, s0  }
0xc5: {  	s0 =	sadd.s32 $0x8F2B, s0  }
0xc6: {  	[sflag:s0] =	ssyncadd.remote.s32 $0x1  }
0xc7: {  	_ =	sfence.sel $0xFFFF  }
0xc8: {  	[dreg:$0x0] =	wrdreg $0xFFFFFFFF;
	(pc) =	sbr.abs _section_cstart, $3  }
0xc9: {  	[dreg:$0x1] =	wrdreg $0xFFFFFFFF  }
0xca: {  	_ =	task.clear_ibuf [dreg:s9], $0x2FFFF;
	_ =	strace $0x9FFFFFFF  }
0xcb: {  	(tm) =	ssettm $0x7FFFFFFF  }
tec
execute0_lowered:
.L_overlay_start_1:
0x0: {  	(tag) =	ssettag $0x1  }
0x1: {  	s1 =	rddreg [dreg:$0x0]  }
0x2: {  	s0 =	rddreg [dreg:$0x1]  }
0x3: {  	s4 =	rddreg [dreg:$0x2]  }
0x4: {  	s5 =	rddreg [dreg:$0x3];
	s3 =	simm.s32 $0x0;
	s6 =	srdreg.scid  }
0x5: {  	s7 =	stileid.u32;
	s14 =	simm.s32 $0x2;
	s13 =	simm.s32 $0x100  }
0x6: {  	[smem:$0x7FF] =	sst s3;
	s6 =	sand.u32 $0x1, s6;
	s9 =	sshll.u32 s7, $0xB  }
0x7: {  	_ =	strace $0x80000047;
	s8 =	ssub.s32 $0x2, s6;
	s10 =	sshll.u32 s6, $0xA  }
0x8: {  	s6 =	sshll.u32 s6, $0x4;
	s11 =	sshrl.u32 s8, $0x1;
	s9 =	sor.u32 s10, s9  }
0x9: {  	s5 =	sadd.s32 s6, s5;
	s17 =	ssub.s32 s8, s11;
	s18 =	sshrl.u32 s9, $0x3  }
0xa: {  	s19 =	sshll.u32 s9, $0x5;
	s10 =	sor.u32 $0x100, s9;
	s30 =	sadd.s32 $0xE00, s5  }
0xb: {  	s21 =	sor.u32 $0x200, s9;
	s8 =	sadd.s32 s0, s18;
	[dreg:$0xe] =	wrdreg s30  }
0xc: {  	s25 =	sor.u32 $0x300, s9;
	s31 =	smax.u32 s17, $0x1;
	[dreg:$0x6] =	wrdreg s8  }
0xd: {  	s23 =	sshrl.u32 s21, $0x3;
	s8 =	sadd.s32 s4, s19;
	[dreg:$0xf] =	wrdreg s31  }
0xe: {  	s26 =	sshll.u32 s21, $0x5;
	s24 =	sadd.s32 s0, s23;
	[dreg:$0x7] =	wrdreg s8  }
0xf: {  	s20 =	sshrl.u32 s10, $0x3;
	s9 =	sadd.s32 s4, s26;
	[dreg:$0xa] =	wrdreg s24  }
0x10: {  	s22 =	sshll.u32 s10, $0x5;
	s8 =	sadd.s32 s0, s20;
	[dreg:$0xb] =	wrdreg s9  }
0x11: {  	s28 =	sshrl.u32 s25, $0x3;
	[dreg:$0x8] =	wrdreg s8;
	s8 =	sadd.s32 s4, s22  }
0x12: {  	v0 =	vimm.f32 $1.000000000e+00;
	v4 =	vlaneseq.u32;
	s0 =	sadd.s32 s0, s28;
	[dreg:$0x9] =	wrdreg s8;
	s8 =	sshll.u32 s25, $0x5  }
0x13: {  	v1 =	vimm.f32 $0.0e+00;
	vm0 =	vmmov $0xffff;
	p0 =	sne.s32 s7, $0x0;
	v3 =	vshrl.u32 v4, $0x3;
	[dreg:$0xc] =	wrdreg s0;
	s29 =	sadd.s32 s4, s8  }
0x14: {  	v2 =	vand.u32 $0x7, v4;
	v4 =	vor.u32 $0x8, v4;
	v3 =	vmul.u32 $0x8, v3;
	s21 =	simm.s32 $0x1;
	s23 =	simm.s32 $0x0;
	[dreg:$0xd] =	wrdreg s29  }
.LBB2_1:
0x15: {  	[tilespmem:$0x10100] =	vst v0  }
0x16: {  	[tilespmem:$0x10110] =	vst v0  }
0x17: {  	[tilespmem:$0x10120] =	vst v0  }
0x18: {  	[tilespmem:$0x10130] =	vst v0  }
0x19: {  	[tilespmem:$0x10140] =	vst v0  }
0x1a: {  	[tilespmem:$0x10150] =	vst v0  }
0x1b: {  	[tilespmem:$0x10160] =	vst v0  }
0x1c: {  	[tilespmem:$0x10170] =	vst v0  }
0x1d: {  	[tilespmem:$0x10180] =	vst v0  }
0x1e: {  	[tilespmem:$0x10190] =	vst v0  }
0x1f: {  	[tilespmem:$0x101A0] =	vst v0  }
0x20: {  	[tilespmem:$0x101B0] =	vst v0  }
0x21: {  	[tilespmem:$0x101C0] =	vst v0  }
0x22: {  	[tilespmem:$0x101D0] =	vst v0  }
0x23: {  	[tilespmem:$0x101E0] =	vst v0  }
0x24: {  	[tilespmem:$0x101F0] =	vst v0;
	s24 =	simm.s32 $0x40;
	s25 =	simm.s32 $0x0  }
.LBB2_2:
0x25: {  	p1 =	sne.s32 s24, $0x7FC0;
	[tilespmem:s25+$0x10200] =	vst v1;
	s25 =	smov.u32 s24;
	s24 =	sadd.s32 $0x40, s24  }
.Ltmp0:
0x26: {  	(pc) =	sbr.rel @p1 .LBB2_2-.Ltmp0, $2  }
0x27: {  	_ =	sdelay $0x2  }
0x28: {  	s25 =	sshra.s32 s25, $0x2  }
0x29: {  	[tilespmem:s25+$0x10200] =	vst v1;
	s24 =	simm.s32 @!p0 $0x10200;
	s12 =	rddreg [dreg:$0x4];
	s0 =	simm.s32 @!p0 $0x2  }
0x2a: {  	[spmem:s12] =	stream.linear.scatter @!p0 [tilespmem:s24], [sflag:$0x2], $0x2000, $0x38;
	[tilespmem:$0x12400] =	vst v63  }
0x2b: {  	_ =	swait.ge @!p0 [sflag:s0], $0x2000  }
0x2c: {  	[sflag:s0] =	ssyncset.done @!p0 $0x0  }
0x2d: {  	[sflag:s0] =	ssyncadd.s32 @!p0 $0xFFFFE000  }
0x2e: {  	[bflag:$0x0] =	sbarrier.arrive $0xFFFF  }
0x2f: {  	s26 =	rddreg [dreg:$0x6]  }
0x30: {  	[tilespmem:s3], [sflag:$0x2] =	stream.linear.gather [hbm4b:s26+s3], $0x100, $0x38;
	[tilespmem:$0x12400] =	vst v63  }
0x31: {  	_ =	swait.ge [sflag:s14], $0x100  }
0x32: {  	[sflag:s14] =	ssyncset.done $0x0  }
0x33: {  	[sflag:s14] =	ssyncadd.s32 $0xFFFFFF00  }
0x34: {  	v5 =	vld [tilespmem:$0x0];
	_ =	sdelay $0x4  }
0x35: {  	v6 =	vshll.u32 v5, $0x1  }
0x36: {  	v5 =	vand.u32 $0x7, v5;
	v6 =	vand.u32 $0xFFFFFFF0, v6  }
0x37: {  	v5 =	vor.u32 v5, v6  }
0x38: {  	v6 =	vperm.xlane v5, v2;
	_ =	sdelay $0x1  }
0x39: {  	v5 =	vperm.xlane v5, v4;
	v6 =	vadd.s32 v3, v6;
	_ =	sdelay $0x1  }
0x3a: {  	v5 =	vadd.s32 v3, v5;
	_ =	sdelay $0x2  }
0x3b: {  	[tilespmem:s13], [sflag:$0x1] =	stream.indirect_vreg.gather [hbm4b:s1+s3], $0x80, v6, vm0, $0xb8;
	[tilespmem:$0x12400] =	vst v63  }
0x3c: {  	s28 =	simm.s32 $0x900  }
0x3d: {  	[tilespmem:s28], [sflag:$0x1] =	stream.indirect_vreg.gather [hbm4b:s1+s3], $0x80, v5, vm0, $0xb8;
	[tilespmem:$0x12400] =	vst v63  }
0x3e: {  	v5 =	vld [tilespmem:$0x10];
	_ =	sdelay $0x4  }
0x3f: {  	v6 =	vshll.u32 v5, $0x1  }
0x40: {  	v5 =	vand.u32 $0x7, v5;
	v6 =	vand.u32 $0xFFFFFFF0, v6  }
0x41: {  	v5 =	vor.u32 v5, v6  }
0x42: {  	v6 =	vperm.xlane v5, v2;
	_ =	sdelay $0x1  }
0x43: {  	v5 =	vperm.xlane v5, v4;
	v6 =	vadd.s32 v3, v6;
	_ =	sdelay $0x1  }
0x44: {  	v5 =	vadd.s32 v3, v5;
	_ =	sdelay $0x1  }
0x45: {  	s29 =	simm.s32 $0x1100  }
0x46: {  	[tilespmem:s29], [sflag:$0x1] =	stream.indirect_vreg.gather [hbm4b:s1+s3], $0x80, v6, vm0, $0xb8;
	[tilespmem:$0x12400] =	vst v63  }
0x47: {  	s30 =	simm.s32 $0x1900  }
0x48: {  	[tilespmem:s30], [sflag:$0x1] =	stream.indirect_vreg.gather [hbm4b:s1+s3], $0x80, v5, vm0, $0xb8;
	[tilespmem:$0x12400] =	vst v63  }
0x49: {  	v5 =	vld [tilespmem:$0x20];
	_ =	sdelay $0x4  }
0x4a: {  	v6 =	vshll.u32 v5, $0x1  }
0x4b: {  	v5 =	vand.u32 $0x7, v5;
	v6 =	vand.u32 $0xFFFFFFF0, v6  }
0x4c: {  	v5 =	vor.u32 v5, v6  }
0x4d: {  	v6 =	vperm.xlane v5, v2;
	_ =	sdelay $0x1  }
0x4e: {  	v5 =	vperm.xlane v5, v4;
	v6 =	vadd.s32 v3, v6;
	_ =	sdelay $0x1  }
0x4f: {  	v5 =	vadd.s32 v3, v5;
	_ =	sdelay $0x1  }
0x50: {  	s31 =	simm.s32 $0x2100  }
0x51: {  	[tilespmem:s31], [sflag:$0x1] =	stream.indirect_vreg.gather [hbm4b:s1+s3], $0x80, v6, vm0, $0xb8;
	[tilespmem:$0x12400] =	vst v63  }
0x52: {  	s2 =	simm.s32 $0x2900  }
0x53: {  	[tilespmem:s2], [sflag:$0x1] =	stream.indirect_vreg.gather [hbm4b:s1+s3], $0x80, v5, vm0, $0xb8;
	[tilespmem:$0x12400] =	vst v63  }
0x54: {  	v5 =	vld [tilespmem:$0x30];
	_ =	sdelay $0x4  }
0x55: {  	v6 =	vshll.u32 v5, $0x1  }
0x56: {  	v5 =	vand.u32 $0x7, v5;
	v6 =	vand.u32 $0xFFFFFFF0, v6  }
0x57: {  	v5 =	vor.u32 v5, v6  }
0x58: {  	v6 =	vperm.xlane v5, v2;
	_ =	sdelay $0x1  }
0x59: {  	v5 =	vperm.xlane v5, v4;
	v6 =	vadd.s32 v3, v6;
	_ =	sdelay $0x1  }
0x5a: {  	v5 =	vadd.s32 v3, v5;
	_ =	sdelay $0x1  }
0x5b: {  	s2 =	simm.s32 $0x3100  }
0x5c: {  	[tilespmem:s2], [sflag:$0x1] =	stream.indirect_vreg.gather [hbm4b:s1+s3], $0x80, v6, vm0, $0xb8;
	[tilespmem:$0x12400] =	vst v63  }
0x5d: {  	s4 =	simm.s32 $0x3900  }
0x5e: {  	[tilespmem:s4], [sflag:$0x1] =	stream.indirect_vreg.gather [hbm4b:s1+s3], $0x80, v5, vm0, $0xb8;
	[tilespmem:$0x12400] =	vst v63  }
0x5f: {  	v5 =	vld [tilespmem:$0x40];
	_ =	sdelay $0x4  }
0x60: {  	v6 =	vshll.u32 v5, $0x1  }
0x61: {  	v5 =	vand.u32 $0x7, v5;
	v6 =	vand.u32 $0xFFFFFFF0, v6  }
0x62: {  	v5 =	vor.u32 v5, v6  }
0x63: {  	v6 =	vperm.xlane v5, v2;
	_ =	sdelay $0x1  }
0x64: {  	v5 =	vperm.xlane v5, v4;
	v6 =	vadd.s32 v3, v6;
	_ =	sdelay $0x1  }
0x65: {  	v5 =	vadd.s32 v3, v5;
	_ =	sdelay $0x1  }
0x66: {  	s5 =	simm.s32 $0x4100  }
0x67: {  	[tilespmem:s5], [sflag:$0x1] =	stream.indirect_vreg.gather [hbm4b:s1+s3], $0x80, v6, vm0, $0xb8;
	[tilespmem:$0x12400] =	vst v63  }
0x68: {  	s6 =	simm.s32 $0x4900  }
0x69: {  	[tilespmem:s6], [sflag:$0x1] =	stream.indirect_vreg.gather [hbm4b:s1+s3], $0x80, v5, vm0, $0xb8;
	[tilespmem:$0x12400] =	vst v63  }
0x6a: {  	v5 =	vld [tilespmem:$0x50];
	_ =	sdelay $0x4  }
0x6b: {  	v6 =	vshll.u32 v5, $0x1  }
0x6c: {  	v5 =	vand.u32 $0x7, v5;
	v6 =	vand.u32 $0xFFFFFFF0, v6  }
0x6d: {  	v5 =	vor.u32 v5, v6  }
0x6e: {  	v6 =	vperm.xlane v5, v2;
	_ =	sdelay $0x1  }
0x6f: {  	v5 =	vperm.xlane v5, v4;
	v6 =	vadd.s32 v3, v6;
	_ =	sdelay $0x1  }
0x70: {  	v5 =	vadd.s32 v3, v5;
	_ =	sdelay $0x1  }
0x71: {  	s7 =	simm.s32 $0x5100  }
0x72: {  	[tilespmem:s7], [sflag:$0x1] =	stream.indirect_vreg.gather [hbm4b:s1+s3], $0x80, v6, vm0, $0xb8;
	[tilespmem:$0x12400] =	vst v63  }
0x73: {  	s8 =	simm.s32 $0x5900  }
0x74: {  	[tilespmem:s8], [sflag:$0x1] =	stream.indirect_vreg.gather [hbm4b:s1+s3], $0x80, v5, vm0, $0xb8;
	[tilespmem:$0x12400] =	vst v63  }
0x75: {  	v5 =	vld [tilespmem:$0x60];
	_ =	sdelay $0x4  }
0x76: {  	v6 =	vshll.u32 v5, $0x1  }
0x77: {  	v5 =	vand.u32 $0x7, v5;
	v6 =	vand.u32 $0xFFFFFFF0, v6  }
0x78: {  	v5 =	vor.u32 v5, v6  }
0x79: {  	v6 =	vperm.xlane v5, v2;
	_ =	sdelay $0x1  }
0x7a: {  	v5 =	vperm.xlane v5, v4;
	v6 =	vadd.s32 v3, v6;
	_ =	sdelay $0x1  }
0x7b: {  	v5 =	vadd.s32 v3, v5;
	_ =	sdelay $0x1  }
0x7c: {  	s9 =	simm.s32 $0x6100  }
0x7d: {  	[tilespmem:s9], [sflag:$0x1] =	stream.indirect_vreg.gather [hbm4b:s1+s3], $0x80, v6, vm0, $0xb8;
	[tilespmem:$0x12400] =	vst v63  }
0x7e: {  	s15 =	simm.s32 $0x6900  }
0x7f: {  	[tilespmem:s15], [sflag:$0x1] =	stream.indirect_vreg.gather [hbm4b:s1+s3], $0x80, v5, vm0, $0xb8;
	[tilespmem:$0x12400] =	vst v63  }
0x80: {  	v5 =	vld [tilespmem:$0x70];
	_ =	sdelay $0x4  }
0x81: {  	v6 =	vshll.u32 v5, $0x1  }
0x82: {  	v5 =	vand.u32 $0x7, v5;
	v6 =	vand.u32 $0xFFFFFFF0, v6  }
0x83: {  	v5 =	vor.u32 v5, v6  }
0x84: {  	v6 =	vperm.xlane v5, v2;
	_ =	sdelay $0x1  }
0x85: {  	v5 =	vperm.xlane v5, v4;
	v6 =	vadd.s32 v3, v6;
	_ =	sdelay $0x1  }
0x86: {  	v5 =	vadd.s32 v3, v5;
	_ =	sdelay $0x1  }
0x87: {  	s16 =	simm.s32 $0x7100  }
0x88: {  	[tilespmem:s16], [sflag:$0x1] =	stream.indirect_vreg.gather [hbm4b:s1+s3], $0x80, v6, vm0, $0xb8;
	[tilespmem:$0x12400] =	vst v63  }
0x89: {  	s17 =	simm.s32 $0x7900  }
0x8a: {  	[tilespmem:s17], [sflag:$0x1] =	stream.indirect_vreg.gather [hbm4b:s1+s3], $0x80, v5, vm0, $0xb8;
	[tilespmem:$0x12400] =	vst v63  }
0x8b: {  	v5 =	vld [tilespmem:$0x80];
	_ =	sdelay $0x4  }
0x8c: {  	v6 =	vshll.u32 v5, $0x1  }
0x8d: {  	v5 =	vand.u32 $0x7, v5;
	v6 =	vand.u32 $0xFFFFFFF0, v6  }
0x8e: {  	v5 =	vor.u32 v5, v6  }
0x8f: {  	v6 =	vperm.xlane v5, v2;
	_ =	sdelay $0x1  }
0x90: {  	v5 =	vperm.xlane v5, v4;
	v6 =	vadd.s32 v3, v6;
	_ =	sdelay $0x1  }
0x91: {  	v5 =	vadd.s32 v3, v5;
	_ =	sdelay $0x1  }
0x92: {  	s18 =	simm.s32 $0x8100  }
0x93: {  	[tilespmem:s18], [sflag:$0x1] =	stream.indirect_vreg.gather [hbm4b:s1+s3], $0x80, v6, vm0, $0xb8;
	[tilespmem:$0x12400] =	vst v63  }
0x94: {  	s19 =	simm.s32 $0x8900  }
0x95: {  	[tilespmem:s19], [sflag:$0x1] =	stream.indirect_vreg.gather [hbm4b:s1+s3], $0x80, v5, vm0, $0xb8;
	[tilespmem:$0x12400] =	vst v63  }
0x96: {  	v5 =	vld [tilespmem:$0x90];
	_ =	sdelay $0x4  }
0x97: {  	v6 =	vshll.u32 v5, $0x1  }
0x98: {  	v5 =	vand.u32 $0x7, v5;
	v6 =	vand.u32 $0xFFFFFFF0, v6  }
0x99: {  	v5 =	vor.u32 v5, v6  }
0x9a: {  	v6 =	vperm.xlane v5, v2;
	_ =	sdelay $0x1  }
0x9b: {  	v5 =	vperm.xlane v5, v4;
	v6 =	vadd.s32 v3, v6;
	_ =	sdelay $0x1  }
0x9c: {  	v5 =	vadd.s32 v3, v5;
	_ =	sdelay $0x1  }
0x9d: {  	s24 =	simm.s32 $0x9100  }
0x9e: {  	[tilespmem:s24], [sflag:$0x1] =	stream.indirect_vreg.gather [hbm4b:s1+s3], $0x80, v6, vm0, $0xb8;
	[tilespmem:$0x12400] =	vst v63  }
0x9f: {  	s25 =	simm.s32 $0x9900  }
0xa0: {  	[tilespmem:s25], [sflag:$0x1] =	stream.indirect_vreg.gather [hbm4b:s1+s3], $0x80, v5, vm0, $0xb8;
	[tilespmem:$0x12400] =	vst v63  }
0xa1: {  	v5 =	vld [tilespmem:$0xA0];
	_ =	sdelay $0x4  }
0xa2: {  	v6 =	vshll.u32 v5, $0x1  }
0xa3: {  	v5 =	vand.u32 $0x7, v5;
	v6 =	vand.u32 $0xFFFFFFF0, v6  }
0xa4: {  	v5 =	vor.u32 v5, v6  }
0xa5: {  	v6 =	vperm.xlane v5, v2;
	_ =	sdelay $0x1  }
0xa6: {  	v5 =	vperm.xlane v5, v4;
	v6 =	vadd.s32 v3, v6;
	_ =	sdelay $0x1  }
0xa7: {  	v5 =	vadd.s32 v3, v5;
	_ =	sdelay $0x1  }
0xa8: {  	s28 =	simm.s32 $0xA100  }
0xa9: {  	[tilespmem:s28], [sflag:$0x1] =	stream.indirect_vreg.gather [hbm4b:s1+s3], $0x80, v6, vm0, $0xb8;
	[tilespmem:$0x12400] =	vst v63  }
0xaa: {  	s29 =	simm.s32 $0xA900  }
0xab: {  	[tilespmem:s29], [sflag:$0x1] =	stream.indirect_vreg.gather [hbm4b:s1+s3], $0x80, v5, vm0, $0xb8;
	[tilespmem:$0x12400] =	vst v63  }
0xac: {  	v5 =	vld [tilespmem:$0xB0];
	_ =	sdelay $0x4  }
0xad: {  	v6 =	vshll.u32 v5, $0x1  }
0xae: {  	v5 =	vand.u32 $0x7, v5;
	v6 =	vand.u32 $0xFFFFFFF0, v6  }
0xaf: {  	v5 =	vor.u32 v5, v6  }
0xb0: {  	v6 =	vperm.xlane v5, v2;
	_ =	sdelay $0x1  }
0xb1: {  	v5 =	vperm.xlane v5, v4;
	v6 =	vadd.s32 v3, v6;
	_ =	sdelay $0x1  }
0xb2: {  	v5 =	vadd.s32 v3, v5;
	_ =	sdelay $0x1  }
0xb3: {  	s30 =	simm.s32 $0xB100  }
0xb4: {  	[tilespmem:s30], [sflag:$0x1] =	stream.indirect_vreg.gather [hbm4b:s1+s3], $0x80, v6, vm0, $0xb8;
	[tilespmem:$0x12400] =	vst v63  }
0xb5: {  	s31 =	simm.s32 $0xB900  }
0xb6: {  	[tilespmem:s31], [sflag:$0x1] =	stream.indirect_vreg.gather [hbm4b:s1+s3], $0x80, v5, vm0, $0xb8;
	[tilespmem:$0x12400] =	vst v63  }
0xb7: {  	v5 =	vld [tilespmem:$0xC0];
	_ =	sdelay $0x4  }
0xb8: {  	v6 =	vshll.u32 v5, $0x1  }
0xb9: {  	v5 =	vand.u32 $0x7, v5;
	v6 =	vand.u32 $0xFFFFFFF0, v6  }
0xba: {  	v5 =	vor.u32 v5, v6  }
0xbb: {  	v6 =	vperm.xlane v5, v2;
	_ =	sdelay $0x1  }
0xbc: {  	v5 =	vperm.xlane v5, v4;
	v6 =	vadd.s32 v3, v6;
	_ =	sdelay $0x1  }
0xbd: {  	v5 =	vadd.s32 v3, v5;
	_ =	sdelay $0x1  }
0xbe: {  	s2 =	simm.s32 $0xC100  }
0xbf: {  	[tilespmem:s2], [sflag:$0x1] =	stream.indirect_vreg.gather [hbm4b:s1+s3], $0x80, v6, vm0, $0xb8;
	[tilespmem:$0x12400] =	vst v63  }
0xc0: {  	s15 =	simm.s32 $0xC900  }
0xc1: {  	[tilespmem:s15], [sflag:$0x1] =	stream.indirect_vreg.gather [hbm4b:s1+s3], $0x80, v5, vm0, $0xb8;
	[tilespmem:$0x12400] =	vst v63  }
0xc2: {  	v5 =	vld [tilespmem:$0xD0];
	_ =	sdelay $0x4  }
0xc3: {  	v6 =	vshll.u32 v5, $0x1  }
0xc4: {  	v5 =	vand.u32 $0x7, v5;
	v6 =	vand.u32 $0xFFFFFFF0, v6  }
0xc5: {  	v5 =	vor.u32 v5, v6  }
0xc6: {  	v6 =	vperm.xlane v5, v2;
	_ =	sdelay $0x1  }
0xc7: {  	v5 =	vperm.xlane v5, v4;
	v6 =	vadd.s32 v3, v6;
	_ =	sdelay $0x1  }
0xc8: {  	v5 =	vadd.s32 v3, v5;
	_ =	sdelay $0x1  }
0xc9: {  	s17 =	simm.s32 $0xD100  }
0xca: {  	[tilespmem:s17], [sflag:$0x1] =	stream.indirect_vreg.gather [hbm4b:s1+s3], $0x80, v6, vm0, $0xb8;
	[tilespmem:$0x12400] =	vst v63  }
0xcb: {  	s18 =	simm.s32 $0xD900  }
0xcc: {  	[tilespmem:s18], [sflag:$0x1] =	stream.indirect_vreg.gather [hbm4b:s1+s3], $0x80, v5, vm0, $0xb8;
	[tilespmem:$0x12400] =	vst v63  }
0xcd: {  	v5 =	vld [tilespmem:$0xE0];
	_ =	sdelay $0x4  }
0xce: {  	v6 =	vshll.u32 v5, $0x1  }
0xcf: {  	v5 =	vand.u32 $0x7, v5;
	v6 =	vand.u32 $0xFFFFFFF0, v6  }
0xd0: {  	v5 =	vor.u32 v5, v6  }
0xd1: {  	v6 =	vperm.xlane v5, v2;
	_ =	sdelay $0x1  }
0xd2: {  	v5 =	vperm.xlane v5, v4;
	v6 =	vadd.s32 v3, v6;
	_ =	sdelay $0x1  }
0xd3: {  	v5 =	vadd.s32 v3, v5;
	_ =	sdelay $0x1  }
0xd4: {  	s28 =	simm.s32 $0xE100  }
0xd5: {  	[tilespmem:s28], [sflag:$0x1] =	stream.indirect_vreg.gather [hbm4b:s1+s3], $0x80, v6, vm0, $0xb8;
	[tilespmem:$0x12400] =	vst v63  }
0xd6: {  	s29 =	simm.s32 $0xE900  }
0xd7: {  	[tilespmem:s29], [sflag:$0x1] =	stream.indirect_vreg.gather [hbm4b:s1+s3], $0x80, v5, vm0, $0xb8;
	[tilespmem:$0x12400] =	vst v63  }
0xd8: {  	v5 =	vld [tilespmem:$0xF0];
	_ =	sdelay $0x4  }
0xd9: {  	v6 =	vshll.u32 v5, $0x1  }
0xda: {  	v5 =	vand.u32 $0x7, v5;
	v6 =	vand.u32 $0xFFFFFFF0, v6  }
0xdb: {  	v5 =	vor.u32 v5, v6  }
0xdc: {  	v6 =	vperm.xlane v5, v2;
	_ =	sdelay $0x1  }
0xdd: {  	v5 =	vperm.xlane v5, v4;
	v6 =	vadd.s32 v3, v6;
	_ =	sdelay $0x1  }
0xde: {  	v5 =	vadd.s32 v3, v5;
	_ =	sdelay $0x1  }
0xdf: {  	s2 =	simm.s32 $0xF100  }
0xe0: {  	[tilespmem:s2], [sflag:$0x1] =	stream.indirect_vreg.gather [hbm4b:s1+s3], $0x80, v6, vm0, $0xb8;
	[tilespmem:$0x12400] =	vst v63  }
0xe1: {  	s18 =	simm.s32 $0xF900  }
0xe2: {  	[tilespmem:s18], [sflag:$0x1] =	stream.indirect_vreg.gather [hbm4b:s1+s3], $0x80, v5, vm0, $0xb8;
	[tilespmem:$0x12400] =	vst v63  }
0xe3: {  	_ =	swait.ge [sflag:s21], $0x10000  }
0xe4: {  	[sflag:s21] =	ssyncset.done $0x0  }
0xe5: {  	s28 =	rddreg [dreg:$0x7];
	[sflag:s21] =	ssyncadd.s32 $0xFFFF0000  }
0xe6: {  	[hbm4b:s28+s3] =	stream.linear.scatter [tilespmem:s13], [sflag:$0x2], $0x10000, $0x38;
	[tilespmem:$0x12400] =	vst v63  }
0xe7: {  	_ =	swait.ge [sflag:s14], $0x10000  }
0xe8: {  	[sflag:s14] =	ssyncset.done $0x0  }
0xe9: {  	s29 =	simm.s32 $0x10100;
	[sflag:s14] =	ssyncadd.s32 $0xFFFF0000  }
0xea: {  	[spmem:s12] =	stream.indirect.scatter.add.f32 [tilespmem:s29], [sflag:$0x2], $0x1, s3, s13, $0xb8;
	[tilespmem:$0x12400] =	vst v63  }
0xeb: {  	_ =	swait.ge [sflag:s14], $0x100  }
0xec: {  	[sflag:s14] =	ssyncset.done $0x0  }
0xed: {  	s2 =	rddreg [dreg:$0x8];
	[sflag:s14] =	ssyncadd.s32 $0xFFFFFF00  }
0xee: {  	[tilespmem:s3], [sflag:$0x2] =	stream.linear.gather [hbm4b:s2+s3], $0x100, $0x38;
	[tilespmem:$0x12400] =	vst v63  }
0xef: {  	_ =	swait.ge [sflag:s14], $0x100  }
0xf0: {  	[sflag:s14] =	ssyncset.done $0x0  }
0xf1: {  	[sflag:s14] =	ssyncadd.s32 $0xFFFFFF00  }
0xf2: {  	v5 =	vld [tilespmem:$0x0];
	_ =	sdelay $0x4  }
0xf3: {  	v6 =	vshll.u32 v5, $0x1  }
0xf4: {  	v5 =	vand.u32 $0x7, v5;
	v6 =	vand.u32 $0xFFFFFFF0, v6  }
0xf5: {  	v5 =	vor.u32 v5, v6  }
0xf6: {  	v6 =	vperm.xlane v5, v2;
	_ =	sdelay $0x1  }
0xf7: {  	v5 =	vperm.xlane v5, v4;
	v6 =	vadd.s32 v3, v6;
	_ =	sdelay $0x1  }
0xf8: {  	v5 =	vadd.s32 v3, v5;
	_ =	sdelay $0x2  }
0xf9: {  	[tilespmem:s13], [sflag:$0x1] =	stream.indirect_vreg.gather [hbm4b:s1+s3], $0x80, v6, vm0, $0xb8;
	[tilespmem:$0x12400] =	vst v63  }
0xfa: {  	s11 =	simm.s32 $0x900  }
0xfb: {  	[tilespmem:s11], [sflag:$0x1] =	stream.indirect_vreg.gather [hbm4b:s1+s3], $0x80, v5, vm0, $0xb8;
	[tilespmem:$0x12400] =	vst v63  }
0xfc: {  	v5 =	vld [tilespmem:$0x10];
	_ =	sdelay $0x4  }
0xfd: {  	v6 =	vshll.u32 v5, $0x1  }
0xfe: {  	v5 =	vand.u32 $0x7, v5;
	v6 =	vand.u32 $0xFFFFFFF0, v6  }
0xff: {  	v5 =	vor.u32 v5, v6  }
0x100: {  	v6 =	vperm.xlane v5, v2;
	_ =	sdelay $0x1  }
0x101: {  	v5 =	vperm.xlane v5, v4;
	v6 =	vadd.s32 v3, v6;
	_ =	sdelay $0x1  }
0x102: {  	v5 =	vadd.s32 v3, v5;
	_ =	sdelay $0x1  }
0x103: {  	s10 =	simm.s32 $0x1100  }
0x104: {  	[tilespmem:s10], [sflag:$0x1] =	stream.indirect_vreg.gather [hbm4b:s1+s3], $0x80, v6, vm0, $0xb8;
	[tilespmem:$0x12400] =	vst v63  }
0x105: {  	s20 =	simm.s32 $0x1900  }
0x106: {  	[tilespmem:s20], [sflag:$0x1] =	stream.indirect_vreg.gather [hbm4b:s1+s3], $0x80, v5, vm0, $0xb8;
	[tilespmem:$0x12400] =	vst v63  }
0x107: {  	v5 =	vld [tilespmem:$0x20];
	_ =	sdelay $0x4  }
0x108: {  	v6 =	vshll.u32 v5, $0x1  }
0x109: {  	v5 =	vand.u32 $0x7, v5;
	v6 =	vand.u32 $0xFFFFFFF0, v6  }
0x10a: {  	v5 =	vor.u32 v5, v6  }
0x10b: {  	v6 =	vperm.xlane v5, v2;
	_ =	sdelay $0x1  }
0x10c: {  	v5 =	vperm.xlane v5, v4;
	v6 =	vadd.s32 v3, v6;
	_ =	sdelay $0x1  }
0x10d: {  	v5 =	vadd.s32 v3, v5;
	_ =	sdelay $0x1  }
0x10e: {  	s22 =	simm.s32 $0x2100  }
0x10f: {  	[tilespmem:s22], [sflag:$0x1] =	stream.indirect_vreg.gather [hbm4b:s1+s3], $0x80, v6, vm0, $0xb8;
	[tilespmem:$0x12400] =	vst v63  }
0x110: {  	s26 =	simm.s32 $0x2900  }
0x111: {  	[tilespmem:s26], [sflag:$0x1] =	stream.indirect_vreg.gather [hbm4b:s1+s3], $0x80, v5, vm0, $0xb8;
	[tilespmem:$0x12400] =	vst v63  }
0x112: {  	v5 =	vld [tilespmem:$0x30];
	_ =	sdelay $0x4  }
0x113: {  	v6 =	vshll.u32 v5, $0x1  }
0x114: {  	v5 =	vand.u32 $0x7, v5;
	v6 =	vand.u32 $0xFFFFFFF0, v6  }
0x115: {  	v5 =	vor.u32 v5, v6  }
0x116: {  	v6 =	vperm.xlane v5, v2;
	_ =	sdelay $0x1  }
0x117: {  	v5 =	vperm.xlane v5, v4;
	v6 =	vadd.s32 v3, v6;
	_ =	sdelay $0x1  }
0x118: {  	v5 =	vadd.s32 v3, v5;
	_ =	sdelay $0x1  }
0x119: {  	s0 =	simm.s32 $0x3100  }
0x11a: {  	[tilespmem:s0], [sflag:$0x1] =	stream.indirect_vreg.gather [hbm4b:s1+s3], $0x80, v6, vm0, $0xb8;
	[tilespmem:$0x12400] =	vst v63  }
0x11b: {  	s4 =	simm.s32 $0x3900  }
0x11c: {  	[tilespmem:s4], [sflag:$0x1] =	stream.indirect_vreg.gather [hbm4b:s1+s3], $0x80, v5, vm0, $0xb8;
	[tilespmem:$0x12400] =	vst v63  }
0x11d: {  	v5 =	vld [tilespmem:$0x40];
	_ =	sdelay $0x4  }
0x11e: {  	v6 =	vshll.u32 v5, $0x1  }
0x11f: {  	v5 =	vand.u32 $0x7, v5;
	v6 =	vand.u32 $0xFFFFFFF0, v6  }
0x120: {  	v5 =	vor.u32 v5, v6  }
0x121: {  	v6 =	vperm.xlane v5, v2;
	_ =	sdelay $0x1  }
0x122: {  	v5 =	vperm.xlane v5, v4;
	v6 =	vadd.s32 v3, v6;
	_ =	sdelay $0x1  }
0x123: {  	v5 =	vadd.s32 v3, v5;
	_ =	sdelay $0x1  }
0x124: {  	s0 =	simm.s32 $0x4100  }
0x125: {  	[tilespmem:s0], [sflag:$0x1] =	stream.indirect_vreg.gather [hbm4b:s1+s3], $0x80, v6, vm0, $0xb8;
	[tilespmem:$0x12400] =	vst v63  }
0x126: {  	s5 =	simm.s32 $0x4900  }
0x127: {  	[tilespmem:s5], [sflag:$0x1] =	stream.indirect_vreg.gather [hbm4b:s1+s3], $0x80, v5, vm0, $0xb8;
	[tilespmem:$0x12400] =	vst v63  }
0x128: {  	v5 =	vld [tilespmem:$0x50];
	_ =	sdelay $0x4  }
0x129: {  	v6 =	vshll.u32 v5, $0x1  }
0x12a: {  	v5 =	vand.u32 $0x7, v5;
	v6 =	vand.u32 $0xFFFFFFF0, v6  }
0x12b: {  	v5 =	vor.u32 v5, v6  }
0x12c: {  	v6 =	vperm.xlane v5, v2;
	_ =	sdelay $0x1  }
0x12d: {  	v5 =	vperm.xlane v5, v4;
	v6 =	vadd.s32 v3, v6;
	_ =	sdelay $0x1  }
0x12e: {  	v5 =	vadd.s32 v3, v5;
	_ =	sdelay $0x1  }
0x12f: {  	s2 =	simm.s32 $0x5100  }
0x130: {  	[tilespmem:s2], [sflag:$0x1] =	stream.indirect_vreg.gather [hbm4b:s1+s3], $0x80, v6, vm0, $0xb8;
	[tilespmem:$0x12400] =	vst v63  }
0x131: {  	s6 =	simm.s32 $0x5900  }
0x132: {  	[tilespmem:s6], [sflag:$0x1] =	stream.indirect_vreg.gather [hbm4b:s1+s3], $0x80, v5, vm0, $0xb8;
	[tilespmem:$0x12400] =	vst v63  }
0x133: {  	v5 =	vld [tilespmem:$0x60];
	_ =	sdelay $0x4  }
0x134: {  	v6 =	vshll.u32 v5, $0x1  }
0x135: {  	v5 =	vand.u32 $0x7, v5;
	v6 =	vand.u32 $0xFFFFFFF0, v6  }
0x136: {  	v5 =	vor.u32 v5, v6  }
0x137: {  	v6 =	vperm.xlane v5, v2;
	_ =	sdelay $0x1  }
0x138: {  	v5 =	vperm.xlane v5, v4;
	v6 =	vadd.s32 v3, v6;
	_ =	sdelay $0x1  }
0x139: {  	v5 =	vadd.s32 v3, v5;
	_ =	sdelay $0x1  }
0x13a: {  	s4 =	simm.s32 $0x6100  }
0x13b: {  	[tilespmem:s4], [sflag:$0x1] =	stream.indirect_vreg.gather [hbm4b:s1+s3], $0x80, v6, vm0, $0xb8;
	[tilespmem:$0x12400] =	vst v63  }
0x13c: {  	s7 =	simm.s32 $0x6900  }
0x13d: {  	[tilespmem:s7], [sflag:$0x1] =	stream.indirect_vreg.gather [hbm4b:s1+s3], $0x80, v5, vm0, $0xb8;
	[tilespmem:$0x12400] =	vst v63  }
0x13e: {  	v5 =	vld [tilespmem:$0x70];
	_ =	sdelay $0x4  }
0x13f: {  	v6 =	vshll.u32 v5, $0x1  }
0x140: {  	v5 =	vand.u32 $0x7, v5;
	v6 =	vand.u32 $0xFFFFFFF0, v6  }
0x141: {  	v5 =	vor.u32 v5, v6  }
0x142: {  	v6 =	vperm.xlane v5, v2;
	_ =	sdelay $0x1  }
0x143: {  	v5 =	vperm.xlane v5, v4;
	v6 =	vadd.s32 v3, v6;
	_ =	sdelay $0x1  }
0x144: {  	v5 =	vadd.s32 v3, v5;
	_ =	sdelay $0x1  }
0x145: {  	s5 =	simm.s32 $0x7100  }
0x146: {  	[tilespmem:s5], [sflag:$0x1] =	stream.indirect_vreg.gather [hbm4b:s1+s3], $0x80, v6, vm0, $0xb8;
	[tilespmem:$0x12400] =	vst v63  }
0x147: {  	s8 =	simm.s32 $0x7900  }
0x148: {  	[tilespmem:s8], [sflag:$0x1] =	stream.indirect_vreg.gather [hbm4b:s1+s3], $0x80, v5, vm0, $0xb8;
	[tilespmem:$0x12400] =	vst v63  }
0x149: {  	v5 =	vld [tilespmem:$0x80];
	_ =	sdelay $0x4  }
0x14a: {  	v6 =	vshll.u32 v5, $0x1  }
0x14b: {  	v5 =	vand.u32 $0x7, v5;
	v6 =	vand.u32 $0xFFFFFFF0, v6  }
0x14c: {  	v5 =	vor.u32 v5, v6  }
0x14d: {  	v6 =	vperm.xlane v5, v2;
	_ =	sdelay $0x1  }
0x14e: {  	v5 =	vperm.xlane v5, v4;
	v6 =	vadd.s32 v3, v6;
	_ =	sdelay $0x1  }
0x14f: {  	v5 =	vadd.s32 v3, v5;
	_ =	sdelay $0x1  }
0x150: {  	s6 =	simm.s32 $0x8100  }
0x151: {  	[tilespmem:s6], [sflag:$0x1] =	stream.indirect_vreg.gather [hbm4b:s1+s3], $0x80, v6, vm0, $0xb8;
	[tilespmem:$0x12400] =	vst v63  }
0x152: {  	s9 =	simm.s32 $0x8900  }
0x153: {  	[tilespmem:s9], [sflag:$0x1] =	stream.indirect_vreg.gather [hbm4b:s1+s3], $0x80, v5, vm0, $0xb8;
	[tilespmem:$0x12400] =	vst v63  }
0x154: {  	v5 =	vld [tilespmem:$0x90];
	_ =	sdelay $0x4  }
0x155: {  	v6 =	vshll.u32 v5, $0x1  }
0x156: {  	v5 =	vand.u32 $0x7, v5;
	v6 =	vand.u32 $0xFFFFFFF0, v6  }
0x157: {  	v5 =	vor.u32 v5, v6  }
0x158: {  	v6 =	vperm.xlane v5, v2;
	_ =	sdelay $0x1  }
0x159: {  	v5 =	vperm.xlane v5, v4;
	v6 =	vadd.s32 v3, v6;
	_ =	sdelay $0x1  }
0x15a: {  	v5 =	vadd.s32 v3, v5;
	_ =	sdelay $0x1  }
0x15b: {  	s7 =	simm.s32 $0x9100  }
0x15c: {  	[tilespmem:s7], [sflag:$0x1] =	stream.indirect_vreg.gather [hbm4b:s1+s3], $0x80, v6, vm0, $0xb8;
	[tilespmem:$0x12400] =	vst v63  }
0x15d: {  	s10 =	simm.s32 $0x9900  }
0x15e: {  	[tilespmem:s10], [sflag:$0x1] =	stream.indirect_vreg.gather [hbm4b:s1+s3], $0x80, v5, vm0, $0xb8;
	[tilespmem:$0x12400] =	vst v63  }
0x15f: {  	v5 =	vld [tilespmem:$0xA0];
	_ =	sdelay $0x4  }
0x160: {  	v6 =	vshll.u32 v5, $0x1  }
0x161: {  	v5 =	vand.u32 $0x7, v5;
	v6 =	vand.u32 $0xFFFFFFF0, v6  }
0x162: {  	v5 =	vor.u32 v5, v6  }
0x163: {  	v6 =	vperm.xlane v5, v2;
	_ =	sdelay $0x1  }
0x164: {  	v5 =	vperm.xlane v5, v4;
	v6 =	vadd.s32 v3, v6;
	_ =	sdelay $0x1  }
0x165: {  	v5 =	vadd.s32 v3, v5;
	_ =	sdelay $0x1  }
0x166: {  	s8 =	simm.s32 $0xA100  }
0x167: {  	[tilespmem:s8], [sflag:$0x1] =	stream.indirect_vreg.gather [hbm4b:s1+s3], $0x80, v6, vm0, $0xb8;
	[tilespmem:$0x12400] =	vst v63  }
0x168: {  	s11 =	simm.s32 $0xA900  }
0x169: {  	[tilespmem:s11], [sflag:$0x1] =	stream.indirect_vreg.gather [hbm4b:s1+s3], $0x80, v5, vm0, $0xb8;
	[tilespmem:$0x12400] =	vst v63  }
0x16a: {  	v5 =	vld [tilespmem:$0xB0];
	_ =	sdelay $0x4  }
0x16b: {  	v6 =	vshll.u32 v5, $0x1  }
0x16c: {  	v5 =	vand.u32 $0x7, v5;
	v6 =	vand.u32 $0xFFFFFFF0, v6  }
0x16d: {  	v5 =	vor.u32 v5, v6  }
0x16e: {  	v6 =	vperm.xlane v5, v2;
	_ =	sdelay $0x1  }
0x16f: {  	v5 =	vperm.xlane v5, v4;
	v6 =	vadd.s32 v3, v6;
	_ =	sdelay $0x1  }
0x170: {  	v5 =	vadd.s32 v3, v5;
	_ =	sdelay $0x1  }
0x171: {  	s9 =	simm.s32 $0xB100  }
0x172: {  	[tilespmem:s9], [sflag:$0x1] =	stream.indirect_vreg.gather [hbm4b:s1+s3], $0x80, v6, vm0, $0xb8;
	[tilespmem:$0x12400] =	vst v63  }
0x173: {  	s16 =	simm.s32 $0xB900  }
0x174: {  	[tilespmem:s16], [sflag:$0x1] =	stream.indirect_vreg.gather [hbm4b:s1+s3], $0x80, v5, vm0, $0xb8;
	[tilespmem:$0x12400] =	vst v63  }
0x175: {  	v5 =	vld [tilespmem:$0xC0];
	_ =	sdelay $0x4  }
0x176: {  	v6 =	vshll.u32 v5, $0x1  }
0x177: {  	v5 =	vand.u32 $0x7, v5;
	v6 =	vand.u32 $0xFFFFFFF0, v6  }
0x178: {  	v5 =	vor.u32 v5, v6  }
0x179: {  	v6 =	vperm.xlane v5, v2;
	_ =	sdelay $0x1  }
0x17a: {  	v5 =	vperm.xlane v5, v4;
	v6 =	vadd.s32 v3, v6;
	_ =	sdelay $0x1  }
0x17b: {  	v5 =	vadd.s32 v3, v5;
	_ =	sdelay $0x1  }
0x17c: {  	s30 =	simm.s32 $0xC100  }
0x17d: {  	[tilespmem:s30], [sflag:$0x1] =	stream.indirect_vreg.gather [hbm4b:s1+s3], $0x80, v6, vm0, $0xb8;
	[tilespmem:$0x12400] =	vst v63  }
0x17e: {  	s19 =	simm.s32 $0xC900  }
0x17f: {  	[tilespmem:s19], [sflag:$0x1] =	stream.indirect_vreg.gather [hbm4b:s1+s3], $0x80, v5, vm0, $0xb8;
	[tilespmem:$0x12400] =	vst v63  }
0x180: {  	v5 =	vld [tilespmem:$0xD0];
	_ =	sdelay $0x4  }
0x181: {  	v6 =	vshll.u32 v5, $0x1  }
0x182: {  	v5 =	vand.u32 $0x7, v5;
	v6 =	vand.u32 $0xFFFFFFF0, v6  }
0x183: {  	v5 =	vor.u32 v5, v6  }
0x184: {  	v6 =	vperm.xlane v5, v2;
	_ =	sdelay $0x1  }
0x185: {  	v5 =	vperm.xlane v5, v4;
	v6 =	vadd.s32 v3, v6;
	_ =	sdelay $0x1  }
0x186: {  	v5 =	vadd.s32 v3, v5;
	_ =	sdelay $0x1  }
0x187: {  	s24 =	simm.s32 $0xD100  }
0x188: {  	[tilespmem:s24], [sflag:$0x1] =	stream.indirect_vreg.gather [hbm4b:s1+s3], $0x80, v6, vm0, $0xb8;
	[tilespmem:$0x12400] =	vst v63  }
0x189: {  	s17 =	simm.s32 $0xD900  }
0x18a: {  	[tilespmem:s17], [sflag:$0x1] =	stream.indirect_vreg.gather [hbm4b:s1+s3], $0x80, v5, vm0, $0xb8;
	[tilespmem:$0x12400] =	vst v63  }
0x18b: {  	v5 =	vld [tilespmem:$0xE0];
	_ =	sdelay $0x4  }
0x18c: {  	v6 =	vshll.u32 v5, $0x1  }
0x18d: {  	v5 =	vand.u32 $0x7, v5;
	v6 =	vand.u32 $0xFFFFFFF0, v6  }
0x18e: {  	v5 =	vor.u32 v5, v6  }
0x18f: {  	v6 =	vperm.xlane v5, v2;
	_ =	sdelay $0x1  }
0x190: {  	v5 =	vperm.xlane v5, v4;
	v6 =	vadd.s32 v3, v6;
	_ =	sdelay $0x1  }
0x191: {  	v5 =	vadd.s32 v3, v5;
	_ =	sdelay $0x1  }
0x192: {  	s31 =	simm.s32 $0xE100  }
0x193: {  	[tilespmem:s31], [sflag:$0x1] =	stream.indirect_vreg.gather [hbm4b:s1+s3], $0x80, v6, vm0, $0xb8;
	[tilespmem:$0x12400] =	vst v63  }
0x194: {  	s15 =	simm.s32 $0xE900  }
0x195: {  	[tilespmem:s15], [sflag:$0x1] =	stream.indirect_vreg.gather [hbm4b:s1+s3], $0x80, v5, vm0, $0xb8;
	[tilespmem:$0x12400] =	vst v63  }
0x196: {  	v5 =	vld [tilespmem:$0xF0];
	_ =	sdelay $0x4  }
0x197: {  	v6 =	vshll.u32 v5, $0x1  }
0x198: {  	v5 =	vand.u32 $0x7, v5;
	v6 =	vand.u32 $0xFFFFFFF0, v6  }
0x199: {  	v5 =	vor.u32 v5, v6  }
0x19a: {  	v6 =	vperm.xlane v5, v2;
	_ =	sdelay $0x1  }
0x19b: {  	v5 =	vperm.xlane v5, v4;
	v6 =	vadd.s32 v3, v6;
	_ =	sdelay $0x1  }
0x19c: {  	v5 =	vadd.s32 v3, v5;
	_ =	sdelay $0x1  }
0x19d: {  	s25 =	simm.s32 $0xF100  }
0x19e: {  	[tilespmem:s25], [sflag:$0x1] =	stream.indirect_vreg.gather [hbm4b:s1+s3], $0x80, v6, vm0, $0xb8;
	[tilespmem:$0x12400] =	vst v63  }
0x19f: {  	s18 =	simm.s32 $0xF900  }
0x1a0: {  	[tilespmem:s18], [sflag:$0x1] =	stream.indirect_vreg.gather [hbm4b:s1+s3], $0x80, v5, vm0, $0xb8;
	[tilespmem:$0x12400] =	vst v63  }
0x1a1: {  	_ =	swait.ge [sflag:s21], $0x10000  }
0x1a2: {  	[sflag:s21] =	ssyncset.done $0x0  }
0x1a3: {  	s15 =	rddreg [dreg:$0x9];
	[sflag:s21] =	ssyncadd.s32 $0xFFFF0000  }
0x1a4: {  	[hbm4b:s15+s3] =	stream.linear.scatter [tilespmem:s13], [sflag:$0x2], $0x10000, $0x38;
	[tilespmem:$0x12400] =	vst v63  }
0x1a5: {  	_ =	swait.ge [sflag:s14], $0x10000  }
0x1a6: {  	[sflag:s14] =	ssyncset.done $0x0  }
0x1a7: {  	s29 =	simm.s32 $0x10100;
	[sflag:s14] =	ssyncadd.s32 $0xFFFF0000  }
0x1a8: {  	[spmem:s12] =	stream.indirect.scatter.add.f32 [tilespmem:s29], [sflag:$0x2], $0x1, s3, s13, $0xb8;
	[tilespmem:$0x12400] =	vst v63  }
0x1a9: {  	_ =	swait.ge [sflag:s14], $0x100  }
0x1aa: {  	[sflag:s14] =	ssyncset.done $0x0  }
0x1ab: {  	s18 =	rddreg [dreg:$0xa];
	[sflag:s14] =	ssyncadd.s32 $0xFFFFFF00  }
0x1ac: {  	[tilespmem:s3], [sflag:$0x2] =	stream.linear.gather [hbm4b:s18+s3], $0x100, $0x38;
	[tilespmem:$0x12400] =	vst v63  }
0x1ad: {  	_ =	swait.ge [sflag:s14], $0x100  }
0x1ae: {  	[sflag:s14] =	ssyncset.done $0x0  }
0x1af: {  	[sflag:s14] =	ssyncadd.s32 $0xFFFFFF00  }
0x1b0: {  	v5 =	vld [tilespmem:$0x0];
	_ =	sdelay $0x4  }
0x1b1: {  	v6 =	vshll.u32 v5, $0x1  }
0x1b2: {  	v5 =	vand.u32 $0x7, v5;
	v6 =	vand.u32 $0xFFFFFFF0, v6  }
0x1b3: {  	v5 =	vor.u32 v5, v6  }
0x1b4: {  	v6 =	vperm.xlane v5, v2;
	_ =	sdelay $0x1  }
0x1b5: {  	v5 =	vperm.xlane v5, v4;
	v6 =	vadd.s32 v3, v6;
	_ =	sdelay $0x1  }
0x1b6: {  	v5 =	vadd.s32 v3, v5;
	_ =	sdelay $0x2  }
0x1b7: {  	[tilespmem:s13], [sflag:$0x1] =	stream.indirect_vreg.gather [hbm4b:s1+s3], $0x80, v6, vm0, $0xb8;
	[tilespmem:$0x12400] =	vst v63  }
0x1b8: {  	s29 =	simm.s32 $0x900  }
0x1b9: {  	[tilespmem:s29], [sflag:$0x1] =	stream.indirect_vreg.gather [hbm4b:s1+s3], $0x80, v5, vm0, $0xb8;
	[tilespmem:$0x12400] =	vst v63  }
0x1ba: {  	v5 =	vld [tilespmem:$0x10];
	_ =	sdelay $0x4  }
0x1bb: {  	v6 =	vshll.u32 v5, $0x1  }
0x1bc: {  	v5 =	vand.u32 $0x7, v5;
	v6 =	vand.u32 $0xFFFFFFF0, v6  }
0x1bd: {  	v5 =	vor.u32 v5, v6  }
0x1be: {  	v6 =	vperm.xlane v5, v2;
	_ =	sdelay $0x1  }
0x1bf: {  	v5 =	vperm.xlane v5, v4;
	v6 =	vadd.s32 v3, v6;
	_ =	sdelay $0x1  }
0x1c0: {  	v5 =	vadd.s32 v3, v5;
	_ =	sdelay $0x1  }
0x1c1: {  	s18 =	simm.s32 $0x1100  }
0x1c2: {  	[tilespmem:s18], [sflag:$0x1] =	stream.indirect_vreg.gather [hbm4b:s1+s3], $0x80, v6, vm0, $0xb8;
	[tilespmem:$0x12400] =	vst v63  }
0x1c3: {  	s25 =	simm.s32 $0x1900  }
0x1c4: {  	[tilespmem:s25], [sflag:$0x1] =	stream.indirect_vreg.gather [hbm4b:s1+s3], $0x80, v5, vm0, $0xb8;
	[tilespmem:$0x12400] =	vst v63  }
0x1c5: {  	v5 =	vld [tilespmem:$0x20];
	_ =	sdelay $0x4  }
0x1c6: {  	v6 =	vshll.u32 v5, $0x1  }
0x1c7: {  	v5 =	vand.u32 $0x7, v5;
	v6 =	vand.u32 $0xFFFFFFF0, v6  }
0x1c8: {  	v5 =	vor.u32 v5, v6  }
0x1c9: {  	v6 =	vperm.xlane v5, v2;
	_ =	sdelay $0x1  }
0x1ca: {  	v5 =	vperm.xlane v5, v4;
	v6 =	vadd.s32 v3, v6;
	_ =	sdelay $0x1  }
0x1cb: {  	v5 =	vadd.s32 v3, v5;
	_ =	sdelay $0x1  }
0x1cc: {  	s29 =	simm.s32 $0x2100  }
0x1cd: {  	[tilespmem:s29], [sflag:$0x1] =	stream.indirect_vreg.gather [hbm4b:s1+s3], $0x80, v6, vm0, $0xb8;
	[tilespmem:$0x12400] =	vst v63  }
0x1ce: {  	s18 =	simm.s32 $0x2900  }
0x1cf: {  	[tilespmem:s18], [sflag:$0x1] =	stream.indirect_vreg.gather [hbm4b:s1+s3], $0x80, v5, vm0, $0xb8;
	[tilespmem:$0x12400] =	vst v63  }
0x1d0: {  	v5 =	vld [tilespmem:$0x30];
	_ =	sdelay $0x4  }
0x1d1: {  	v6 =	vshll.u32 v5, $0x1  }
0x1d2: {  	v5 =	vand.u32 $0x7, v5;
	v6 =	vand.u32 $0xFFFFFFF0, v6  }
0x1d3: {  	v5 =	vor.u32 v5, v6  }
0x1d4: {  	v6 =	vperm.xlane v5, v2;
	_ =	sdelay $0x1  }
0x1d5: {  	v5 =	vperm.xlane v5, v4;
	v6 =	vadd.s32 v3, v6;
	_ =	sdelay $0x1  }
0x1d6: {  	v5 =	vadd.s32 v3, v5;
	_ =	sdelay $0x1  }
0x1d7: {  	s20 =	simm.s32 $0x3100  }
0x1d8: {  	[tilespmem:s20], [sflag:$0x1] =	stream.indirect_vreg.gather [hbm4b:s1+s3], $0x80, v6, vm0, $0xb8;
	[tilespmem:$0x12400] =	vst v63  }
0x1d9: {  	s22 =	simm.s32 $0x3900  }
0x1da: {  	[tilespmem:s22], [sflag:$0x1] =	stream.indirect_vreg.gather [hbm4b:s1+s3], $0x80, v5, vm0, $0xb8;
	[tilespmem:$0x12400] =	vst v63  }
0x1db: {  	v5 =	vld [tilespmem:$0x40];
	_ =	sdelay $0x4  }
0x1dc: {  	v6 =	vshll.u32 v5, $0x1  }
0x1dd: {  	v5 =	vand.u32 $0x7, v5;
	v6 =	vand.u32 $0xFFFFFFF0, v6  }
0x1de: {  	v5 =	vor.u32 v5, v6  }
0x1df: {  	v6 =	vperm.xlane v5, v2;
	_ =	sdelay $0x1  }
0x1e0: {  	v5 =	vperm.xlane v5, v4;
	v6 =	vadd.s32 v3, v6;
	_ =	sdelay $0x1  }
0x1e1: {  	v5 =	vadd.s32 v3, v5;
	_ =	sdelay $0x2  }
0x1e2: {  	[tilespmem:s0], [sflag:$0x1] =	stream.indirect_vreg.gather [hbm4b:s1+s3], $0x80, v6, vm0, $0xb8;
	[tilespmem:$0x12400] =	vst v63  }
0x1e3: {  	s25 =	simm.s32 $0x4900  }
0x1e4: {  	[tilespmem:s25], [sflag:$0x1] =	stream.indirect_vreg.gather [hbm4b:s1+s3], $0x80, v5, vm0, $0xb8;
	[tilespmem:$0x12400] =	vst v63  }
0x1e5: {  	v5 =	vld [tilespmem:$0x50];
	_ =	sdelay $0x4  }
0x1e6: {  	v6 =	vshll.u32 v5, $0x1  }
0x1e7: {  	v5 =	vand.u32 $0x7, v5;
	v6 =	vand.u32 $0xFFFFFFF0, v6  }
0x1e8: {  	v5 =	vor.u32 v5, v6  }
0x1e9: {  	v6 =	vperm.xlane v5, v2;
	_ =	sdelay $0x1  }
0x1ea: {  	v5 =	vperm.xlane v5, v4;
	v6 =	vadd.s32 v3, v6;
	_ =	sdelay $0x1  }
0x1eb: {  	v5 =	vadd.s32 v3, v5;
	_ =	sdelay $0x2  }
0x1ec: {  	[tilespmem:s2], [sflag:$0x1] =	stream.indirect_vreg.gather [hbm4b:s1+s3], $0x80, v6, vm0, $0xb8;
	[tilespmem:$0x12400] =	vst v63  }
0x1ed: {  	s29 =	simm.s32 $0x5900  }
0x1ee: {  	[tilespmem:s29], [sflag:$0x1] =	stream.indirect_vreg.gather [hbm4b:s1+s3], $0x80, v5, vm0, $0xb8;
	[tilespmem:$0x12400] =	vst v63  }
0x1ef: {  	v5 =	vld [tilespmem:$0x60];
	_ =	sdelay $0x4  }
0x1f0: {  	v6 =	vshll.u32 v5, $0x1  }
0x1f1: {  	v5 =	vand.u32 $0x7, v5;
	v6 =	vand.u32 $0xFFFFFFF0, v6  }
0x1f2: {  	v5 =	vor.u32 v5, v6  }
0x1f3: {  	v6 =	vperm.xlane v5, v2;
	_ =	sdelay $0x1  }
0x1f4: {  	v5 =	vperm.xlane v5, v4;
	v6 =	vadd.s32 v3, v6;
	_ =	sdelay $0x1  }
0x1f5: {  	v5 =	vadd.s32 v3, v5;
	_ =	sdelay $0x2  }
0x1f6: {  	[tilespmem:s4], [sflag:$0x1] =	stream.indirect_vreg.gather [hbm4b:s1+s3], $0x80, v6, vm0, $0xb8;
	[tilespmem:$0x12400] =	vst v63  }
0x1f7: {  	s22 =	simm.s32 $0x6900  }
0x1f8: {  	[tilespmem:s22], [sflag:$0x1] =	stream.indirect_vreg.gather [hbm4b:s1+s3], $0x80, v5, vm0, $0xb8;
	[tilespmem:$0x12400] =	vst v63  }
0x1f9: {  	v5 =	vld [tilespmem:$0x70];
	_ =	sdelay $0x4  }
0x1fa: {  	v6 =	vshll.u32 v5, $0x1  }
0x1fb: {  	v5 =	vand.u32 $0x7, v5;
	v6 =	vand.u32 $0xFFFFFFF0, v6  }
0x1fc: {  	v5 =	vor.u32 v5, v6  }
0x1fd: {  	v6 =	vperm.xlane v5, v2;
	_ =	sdelay $0x1  }
0x1fe: {  	v5 =	vperm.xlane v5, v4;
	v6 =	vadd.s32 v3, v6;
	_ =	sdelay $0x1  }
0x1ff: {  	v5 =	vadd.s32 v3, v5;
	_ =	sdelay $0x2  }
0x200: {  	[tilespmem:s5], [sflag:$0x1] =	stream.indirect_vreg.gather [hbm4b:s1+s3], $0x80, v6, vm0, $0xb8;
	[tilespmem:$0x12400] =	vst v63  }
0x201: {  	s25 =	simm.s32 $0x7900  }
0x202: {  	[tilespmem:s25], [sflag:$0x1] =	stream.indirect_vreg.gather [hbm4b:s1+s3], $0x80, v5, vm0, $0xb8;
	[tilespmem:$0x12400] =	vst v63  }
0x203: {  	v5 =	vld [tilespmem:$0x80];
	_ =	sdelay $0x4  }
0x204: {  	v6 =	vshll.u32 v5, $0x1  }
0x205: {  	v5 =	vand.u32 $0x7, v5;
	v6 =	vand.u32 $0xFFFFFFF0, v6  }
0x206: {  	v5 =	vor.u32 v5, v6  }
0x207: {  	v6 =	vperm.xlane v5, v2;
	_ =	sdelay $0x1  }
0x208: {  	v5 =	vperm.xlane v5, v4;
	v6 =	vadd.s32 v3, v6;
	_ =	sdelay $0x1  }
0x209: {  	v5 =	vadd.s32 v3, v5;
	_ =	sdelay $0x2  }
0x20a: {  	[tilespmem:s6], [sflag:$0x1] =	stream.indirect_vreg.gather [hbm4b:s1+s3], $0x80, v6, vm0, $0xb8;
	[tilespmem:$0x12400] =	vst v63  }
0x20b: {  	s29 =	simm.s32 $0x8900  }
0x20c: {  	[tilespmem:s29], [sflag:$0x1] =	stream.indirect_vreg.gather [hbm4b:s1+s3], $0x80, v5, vm0, $0xb8;
	[tilespmem:$0x12400] =	vst v63  }
0x20d: {  	v5 =	vld [tilespmem:$0x90];
	_ =	sdelay $0x4  }
0x20e: {  	v6 =	vshll.u32 v5, $0x1  }
0x20f: {  	v5 =	vand.u32 $0x7, v5;
	v6 =	vand.u32 $0xFFFFFFF0, v6  }
0x210: {  	v5 =	vor.u32 v5, v6  }
0x211: {  	v6 =	vperm.xlane v5, v2;
	_ =	sdelay $0x1  }
0x212: {  	v5 =	vperm.xlane v5, v4;
	v6 =	vadd.s32 v3, v6;
	_ =	sdelay $0x1  }
0x213: {  	v5 =	vadd.s32 v3, v5;
	_ =	sdelay $0x2  }
0x214: {  	[tilespmem:s7], [sflag:$0x1] =	stream.indirect_vreg.gather [hbm4b:s1+s3], $0x80, v6, vm0, $0xb8;
	[tilespmem:$0x12400] =	vst v63  }
0x215: {  	_ = 	snop  }
0x216: {  	[tilespmem:s10], [sflag:$0x1] =	stream.indirect_vreg.gather [hbm4b:s1+s3], $0x80, v5, vm0, $0xb8;
	[tilespmem:$0x12400] =	vst v63  }
0x217: {  	v5 =	vld [tilespmem:$0xA0];
	_ =	sdelay $0x4  }
0x218: {  	v6 =	vshll.u32 v5, $0x1  }
0x219: {  	v5 =	vand.u32 $0x7, v5;
	v6 =	vand.u32 $0xFFFFFFF0, v6  }
0x21a: {  	v5 =	vor.u32 v5, v6  }
0x21b: {  	v6 =	vperm.xlane v5, v2;
	_ =	sdelay $0x1  }
0x21c: {  	v5 =	vperm.xlane v5, v4;
	v6 =	vadd.s32 v3, v6;
	_ =	sdelay $0x1  }
0x21d: {  	v5 =	vadd.s32 v3, v5;
	_ =	sdelay $0x2  }
0x21e: {  	[tilespmem:s8], [sflag:$0x1] =	stream.indirect_vreg.gather [hbm4b:s1+s3], $0x80, v6, vm0, $0xb8;
	[tilespmem:$0x12400] =	vst v63  }
0x21f: {  	_ = 	snop  }
0x220: {  	[tilespmem:s11], [sflag:$0x1] =	stream.indirect_vreg.gather [hbm4b:s1+s3], $0x80, v5, vm0, $0xb8;
	[tilespmem:$0x12400] =	vst v63  }
0x221: {  	v5 =	vld [tilespmem:$0xB0];
	_ =	sdelay $0x4  }
0x222: {  	v6 =	vshll.u32 v5, $0x1  }
0x223: {  	v5 =	vand.u32 $0x7, v5;
	v6 =	vand.u32 $0xFFFFFFF0, v6  }
0x224: {  	v5 =	vor.u32 v5, v6  }
0x225: {  	v6 =	vperm.xlane v5, v2;
	_ =	sdelay $0x1  }
0x226: {  	v5 =	vperm.xlane v5, v4;
	v6 =	vadd.s32 v3, v6;
	_ =	sdelay $0x1  }
0x227: {  	v5 =	vadd.s32 v3, v5;
	_ =	sdelay $0x2  }
0x228: {  	[tilespmem:s9], [sflag:$0x1] =	stream.indirect_vreg.gather [hbm4b:s1+s3], $0x80, v6, vm0, $0xb8;
	[tilespmem:$0x12400] =	vst v63  }
0x229: {  	s28 =	simm.s32 $0xB900  }
0x22a: {  	[tilespmem:s28], [sflag:$0x1] =	stream.indirect_vreg.gather [hbm4b:s1+s3], $0x80, v5, vm0, $0xb8;
	[tilespmem:$0x12400] =	vst v63  }
0x22b: {  	v5 =	vld [tilespmem:$0xC0];
	_ =	sdelay $0x4  }
0x22c: {  	v6 =	vshll.u32 v5, $0x1  }
0x22d: {  	v5 =	vand.u32 $0x7, v5;
	v6 =	vand.u32 $0xFFFFFFF0, v6  }
0x22e: {  	v5 =	vor.u32 v5, v6  }
0x22f: {  	v6 =	vperm.xlane v5, v2;
	_ =	sdelay $0x1  }
0x230: {  	v5 =	vperm.xlane v5, v4;
	v6 =	vadd.s32 v3, v6;
	_ =	sdelay $0x1  }
0x231: {  	v5 =	vadd.s32 v3, v5;
	_ =	sdelay $0x1  }
0x232: {  	s30 =	simm.s32 $0xC100  }
0x233: {  	[tilespmem:s30], [sflag:$0x1] =	stream.indirect_vreg.gather [hbm4b:s1+s3], $0x80, v6, vm0, $0xb8;
	[tilespmem:$0x12400] =	vst v63  }
0x234: {  	s16 =	simm.s32 $0xC900  }
0x235: {  	[tilespmem:s16], [sflag:$0x1] =	stream.indirect_vreg.gather [hbm4b:s1+s3], $0x80, v5, vm0, $0xb8;
	[tilespmem:$0x12400] =	vst v63  }
0x236: {  	v5 =	vld [tilespmem:$0xD0];
	_ =	sdelay $0x4  }
0x237: {  	v6 =	vshll.u32 v5, $0x1  }
0x238: {  	v5 =	vand.u32 $0x7, v5;
	v6 =	vand.u32 $0xFFFFFFF0, v6  }
0x239: {  	v5 =	vor.u32 v5, v6  }
0x23a: {  	v6 =	vperm.xlane v5, v2;
	_ =	sdelay $0x1  }
0x23b: {  	v5 =	vperm.xlane v5, v4;
	v6 =	vadd.s32 v3, v6;
	_ =	sdelay $0x1  }
0x23c: {  	v5 =	vadd.s32 v3, v5;
	_ =	sdelay $0x1  }
0x23d: {  	s26 =	simm.s32 $0xD100  }
0x23e: {  	[tilespmem:s26], [sflag:$0x1] =	stream.indirect_vreg.gather [hbm4b:s1+s3], $0x80, v6, vm0, $0xb8;
	[tilespmem:$0x12400] =	vst v63  }
0x23f: {  	s17 =	simm.s32 $0xD900  }
0x240: {  	[tilespmem:s17], [sflag:$0x1] =	stream.indirect_vreg.gather [hbm4b:s1+s3], $0x80, v5, vm0, $0xb8;
	[tilespmem:$0x12400] =	vst v63  }
0x241: {  	v5 =	vld [tilespmem:$0xE0];
	_ =	sdelay $0x4  }
0x242: {  	v6 =	vshll.u32 v5, $0x1  }
0x243: {  	v5 =	vand.u32 $0x7, v5;
	v6 =	vand.u32 $0xFFFFFFF0, v6  }
0x244: {  	v5 =	vor.u32 v5, v6  }
0x245: {  	v6 =	vperm.xlane v5, v2;
	_ =	sdelay $0x1  }
0x246: {  	v5 =	vperm.xlane v5, v4;
	v6 =	vadd.s32 v3, v6;
	_ =	sdelay $0x1  }
0x247: {  	v5 =	vadd.s32 v3, v5;
	_ =	sdelay $0x1  }
0x248: {  	s24 =	simm.s32 $0xE100  }
0x249: {  	[tilespmem:s24], [sflag:$0x1] =	stream.indirect_vreg.gather [hbm4b:s1+s3], $0x80, v6, vm0, $0xb8;
	[tilespmem:$0x12400] =	vst v63  }
0x24a: {  	s31 =	simm.s32 $0xE900  }
0x24b: {  	[tilespmem:s31], [sflag:$0x1] =	stream.indirect_vreg.gather [hbm4b:s1+s3], $0x80, v5, vm0, $0xb8;
	[tilespmem:$0x12400] =	vst v63  }
0x24c: {  	v5 =	vld [tilespmem:$0xF0];
	_ =	sdelay $0x4  }
0x24d: {  	v6 =	vshll.u32 v5, $0x1  }
0x24e: {  	v5 =	vand.u32 $0x7, v5;
	v6 =	vand.u32 $0xFFFFFFF0, v6  }
0x24f: {  	v5 =	vor.u32 v5, v6  }
0x250: {  	v6 =	vperm.xlane v5, v2;
	_ =	sdelay $0x1  }
0x251: {  	v5 =	vperm.xlane v5, v4;
	v6 =	vadd.s32 v3, v6;
	_ =	sdelay $0x1  }
0x252: {  	v5 =	vadd.s32 v3, v5;
	_ =	sdelay $0x1  }
0x253: {  	s19 =	simm.s32 $0xF100  }
0x254: {  	[tilespmem:s19], [sflag:$0x1] =	stream.indirect_vreg.gather [hbm4b:s1+s3], $0x80, v6, vm0, $0xb8;
	[tilespmem:$0x12400] =	vst v63  }
0x255: {  	s31 =	simm.s32 $0xF900  }
0x256: {  	[tilespmem:s31], [sflag:$0x1] =	stream.indirect_vreg.gather [hbm4b:s1+s3], $0x80, v5, vm0, $0xb8;
	[tilespmem:$0x12400] =	vst v63  }
0x257: {  	_ =	swait.ge [sflag:s21], $0x10000  }
0x258: {  	[sflag:s21] =	ssyncset.done $0x0  }
0x259: {  	s17 =	rddreg [dreg:$0xb];
	[sflag:s21] =	ssyncadd.s32 $0xFFFF0000  }
0x25a: {  	[hbm4b:s17+s3] =	stream.linear.scatter [tilespmem:s13], [sflag:$0x2], $0x10000, $0x38;
	[tilespmem:$0x12400] =	vst v63  }
0x25b: {  	_ =	swait.ge [sflag:s14], $0x10000  }
0x25c: {  	[sflag:s14] =	ssyncset.done $0x0  }
0x25d: {  	s15 =	smov.u32 s12;
	s25 =	simm.s32 $0x10100;
	[sflag:s14] =	ssyncadd.s32 $0xFFFF0000  }
0x25e: {  	[spmem:s15] =	stream.indirect.scatter.add.f32 [tilespmem:s25], [sflag:$0x2], $0x1, s3, s13, $0xb8;
	[tilespmem:$0x12400] =	vst v63  }
0x25f: {  	_ =	swait.ge [sflag:s14], $0x100  }
0x260: {  	[sflag:s14] =	ssyncset.done $0x0  }
0x261: {  	s31 =	rddreg [dreg:$0xc];
	[sflag:s14] =	ssyncadd.s32 $0xFFFFFF00  }
0x262: {  	[tilespmem:s3], [sflag:$0x2] =	stream.linear.gather [hbm4b:s31+s3], $0x100, $0x38;
	[tilespmem:$0x12400] =	vst v63  }
0x263: {  	_ =	swait.ge [sflag:s14], $0x100  }
0x264: {  	[sflag:s14] =	ssyncset.done $0x0  }
0x265: {  	[sflag:s14] =	ssyncadd.s32 $0xFFFFFF00  }
0x266: {  	v5 =	vld [tilespmem:$0x0];
	_ =	sdelay $0x4  }
0x267: {  	v6 =	vshll.u32 v5, $0x1  }
0x268: {  	v5 =	vand.u32 $0x7, v5;
	v6 =	vand.u32 $0xFFFFFFF0, v6  }
0x269: {  	v5 =	vor.u32 v5, v6  }
0x26a: {  	v6 =	vperm.xlane v5, v2;
	_ =	sdelay $0x1  }
0x26b: {  	v5 =	vperm.xlane v5, v4;
	v6 =	vadd.s32 v3, v6;
	_ =	sdelay $0x1  }
0x26c: {  	v5 =	vadd.s32 v3, v5;
	_ =	sdelay $0x2  }
0x26d: {  	[tilespmem:s13], [sflag:$0x1] =	stream.indirect_vreg.gather [hbm4b:s1+s3], $0x80, v6, vm0, $0xb8;
	[tilespmem:$0x12400] =	vst v63  }
0x26e: {  	s31 =	simm.s32 $0x900  }
0x26f: {  	[tilespmem:s31], [sflag:$0x1] =	stream.indirect_vreg.gather [hbm4b:s1+s3], $0x80, v5, vm0, $0xb8;
	[tilespmem:$0x12400] =	vst v63  }
0x270: {  	v5 =	vld [tilespmem:$0x10];
	_ =	sdelay $0x4  }
0x271: {  	v6 =	vshll.u32 v5, $0x1  }
0x272: {  	v5 =	vand.u32 $0x7, v5;
	v6 =	vand.u32 $0xFFFFFFF0, v6  }
0x273: {  	v5 =	vor.u32 v5, v6  }
0x274: {  	v6 =	vperm.xlane v5, v2;
	_ =	sdelay $0x1  }
0x275: {  	v5 =	vperm.xlane v5, v4;
	v6 =	vadd.s32 v3, v6;
	_ =	sdelay $0x1  }
0x276: {  	v5 =	vadd.s32 v3, v5;
	_ =	sdelay $0x1  }
0x277: {  	s31 =	simm.s32 $0x1100  }
0x278: {  	[tilespmem:s31], [sflag:$0x1] =	stream.indirect_vreg.gather [hbm4b:s1+s3], $0x80, v6, vm0, $0xb8;
	[tilespmem:$0x12400] =	vst v63  }
0x279: {  	s31 =	simm.s32 $0x1900  }
0x27a: {  	[tilespmem:s31], [sflag:$0x1] =	stream.indirect_vreg.gather [hbm4b:s1+s3], $0x80, v5, vm0, $0xb8;
	[tilespmem:$0x12400] =	vst v63  }
0x27b: {  	v5 =	vld [tilespmem:$0x20];
	_ =	sdelay $0x4  }
0x27c: {  	v6 =	vshll.u32 v5, $0x1  }
0x27d: {  	v5 =	vand.u32 $0x7, v5;
	v6 =	vand.u32 $0xFFFFFFF0, v6  }
0x27e: {  	v5 =	vor.u32 v5, v6  }
0x27f: {  	v6 =	vperm.xlane v5, v2;
	_ =	sdelay $0x1  }
0x280: {  	v5 =	vperm.xlane v5, v4;
	v6 =	vadd.s32 v3, v6;
	_ =	sdelay $0x1  }
0x281: {  	v5 =	vadd.s32 v3, v5;
	_ =	sdelay $0x1  }
0x282: {  	s31 =	simm.s32 $0x2100  }
0x283: {  	[tilespmem:s31], [sflag:$0x1] =	stream.indirect_vreg.gather [hbm4b:s1+s3], $0x80, v6, vm0, $0xb8;
	[tilespmem:$0x12400] =	vst v63  }
0x284: {  	s31 =	simm.s32 $0x2900  }
0x285: {  	[tilespmem:s31], [sflag:$0x1] =	stream.indirect_vreg.gather [hbm4b:s1+s3], $0x80, v5, vm0, $0xb8;
	[tilespmem:$0x12400] =	vst v63  }
0x286: {  	v5 =	vld [tilespmem:$0x30];
	_ =	sdelay $0x4  }
0x287: {  	v6 =	vshll.u32 v5, $0x1  }
0x288: {  	v5 =	vand.u32 $0x7, v5;
	v6 =	vand.u32 $0xFFFFFFF0, v6  }
0x289: {  	v5 =	vor.u32 v5, v6  }
0x28a: {  	v6 =	vperm.xlane v5, v2;
	_ =	sdelay $0x1  }
0x28b: {  	v5 =	vperm.xlane v5, v4;
	v6 =	vadd.s32 v3, v6;
	_ =	sdelay $0x1  }
0x28c: {  	v5 =	vadd.s32 v3, v5;
	_ =	sdelay $0x1  }
0x28d: {  	s18 =	simm.s32 $0x3100  }
0x28e: {  	[tilespmem:s18], [sflag:$0x1] =	stream.indirect_vreg.gather [hbm4b:s1+s3], $0x80, v6, vm0, $0xb8;
	[tilespmem:$0x12400] =	vst v63  }
0x28f: {  	s12 =	simm.s32 $0x3900  }
0x290: {  	[tilespmem:s12], [sflag:$0x1] =	stream.indirect_vreg.gather [hbm4b:s1+s3], $0x80, v5, vm0, $0xb8;
	[tilespmem:$0x12400] =	vst v63  }
0x291: {  	v5 =	vld [tilespmem:$0x40];
	_ =	sdelay $0x4  }
0x292: {  	v6 =	vshll.u32 v5, $0x1  }
0x293: {  	v5 =	vand.u32 $0x7, v5;
	v6 =	vand.u32 $0xFFFFFFF0, v6  }
0x294: {  	v5 =	vor.u32 v5, v6  }
0x295: {  	v6 =	vperm.xlane v5, v2;
	_ =	sdelay $0x1  }
0x296: {  	v5 =	vperm.xlane v5, v4;
	v6 =	vadd.s32 v3, v6;
	_ =	sdelay $0x1  }
0x297: {  	v5 =	vadd.s32 v3, v5;
	_ =	sdelay $0x1  }
0x298: {  	s0 =	simm.s32 $0x4100  }
0x299: {  	[tilespmem:s0], [sflag:$0x1] =	stream.indirect_vreg.gather [hbm4b:s1+s3], $0x80, v6, vm0, $0xb8;
	[tilespmem:$0x12400] =	vst v63  }
0x29a: {  	s31 =	simm.s32 $0x4900  }
0x29b: {  	[tilespmem:s31], [sflag:$0x1] =	stream.indirect_vreg.gather [hbm4b:s1+s3], $0x80, v5, vm0, $0xb8;
	[tilespmem:$0x12400] =	vst v63  }
0x29c: {  	v5 =	vld [tilespmem:$0x50];
	_ =	sdelay $0x4  }
0x29d: {  	v6 =	vshll.u32 v5, $0x1  }
0x29e: {  	v5 =	vand.u32 $0x7, v5;
	v6 =	vand.u32 $0xFFFFFFF0, v6  }
0x29f: {  	v5 =	vor.u32 v5, v6  }
0x2a0: {  	v6 =	vperm.xlane v5, v2;
	_ =	sdelay $0x1  }
0x2a1: {  	v5 =	vperm.xlane v5, v4;
	v6 =	vadd.s32 v3, v6;
	_ =	sdelay $0x1  }
0x2a2: {  	v5 =	vadd.s32 v3, v5;
	_ =	sdelay $0x1  }
0x2a3: {  	s2 =	simm.s32 $0x5100  }
0x2a4: {  	[tilespmem:s2], [sflag:$0x1] =	stream.indirect_vreg.gather [hbm4b:s1+s3], $0x80, v6, vm0, $0xb8;
	[tilespmem:$0x12400] =	vst v63  }
0x2a5: {  	s2 =	simm.s32 $0x5900  }
0x2a6: {  	[tilespmem:s2], [sflag:$0x1] =	stream.indirect_vreg.gather [hbm4b:s1+s3], $0x80, v5, vm0, $0xb8;
	[tilespmem:$0x12400] =	vst v63  }
0x2a7: {  	v5 =	vld [tilespmem:$0x60];
	_ =	sdelay $0x4  }
0x2a8: {  	v6 =	vshll.u32 v5, $0x1  }
0x2a9: {  	v5 =	vand.u32 $0x7, v5;
	v6 =	vand.u32 $0xFFFFFFF0, v6  }
0x2aa: {  	v5 =	vor.u32 v5, v6  }
0x2ab: {  	v6 =	vperm.xlane v5, v2;
	_ =	sdelay $0x1  }
0x2ac: {  	v5 =	vperm.xlane v5, v4;
	v6 =	vadd.s32 v3, v6;
	_ =	sdelay $0x1  }
0x2ad: {  	v5 =	vadd.s32 v3, v5;
	_ =	sdelay $0x1  }
0x2ae: {  	s4 =	simm.s32 $0x6100  }
0x2af: {  	[tilespmem:s4], [sflag:$0x1] =	stream.indirect_vreg.gather [hbm4b:s1+s3], $0x80, v6, vm0, $0xb8;
	[tilespmem:$0x12400] =	vst v63  }
0x2b0: {  	s12 =	simm.s32 $0x6900  }
0x2b1: {  	[tilespmem:s12], [sflag:$0x1] =	stream.indirect_vreg.gather [hbm4b:s1+s3], $0x80, v5, vm0, $0xb8;
	[tilespmem:$0x12400] =	vst v63  }
0x2b2: {  	v5 =	vld [tilespmem:$0x70];
	_ =	sdelay $0x4  }
0x2b3: {  	v6 =	vshll.u32 v5, $0x1  }
0x2b4: {  	v5 =	vand.u32 $0x7, v5;
	v6 =	vand.u32 $0xFFFFFFF0, v6  }
0x2b5: {  	v5 =	vor.u32 v5, v6  }
0x2b6: {  	v6 =	vperm.xlane v5, v2;
	_ =	sdelay $0x1  }
0x2b7: {  	v5 =	vperm.xlane v5, v4;
	v6 =	vadd.s32 v3, v6;
	_ =	sdelay $0x1  }
0x2b8: {  	v5 =	vadd.s32 v3, v5;
	_ =	sdelay $0x1  }
0x2b9: {  	s5 =	simm.s32 $0x7100  }
0x2ba: {  	[tilespmem:s5], [sflag:$0x1] =	stream.indirect_vreg.gather [hbm4b:s1+s3], $0x80, v6, vm0, $0xb8;
	[tilespmem:$0x12400] =	vst v63  }
0x2bb: {  	s18 =	simm.s32 $0x7900  }
0x2bc: {  	[tilespmem:s18], [sflag:$0x1] =	stream.indirect_vreg.gather [hbm4b:s1+s3], $0x80, v5, vm0, $0xb8;
	[tilespmem:$0x12400] =	vst v63  }
0x2bd: {  	v5 =	vld [tilespmem:$0x80];
	_ =	sdelay $0x4  }
0x2be: {  	v6 =	vshll.u32 v5, $0x1  }
0x2bf: {  	v5 =	vand.u32 $0x7, v5;
	v6 =	vand.u32 $0xFFFFFFF0, v6  }
0x2c0: {  	v5 =	vor.u32 v5, v6  }
0x2c1: {  	v6 =	vperm.xlane v5, v2;
	_ =	sdelay $0x1  }
0x2c2: {  	v5 =	vperm.xlane v5, v4;
	v6 =	vadd.s32 v3, v6;
	_ =	sdelay $0x1  }
0x2c3: {  	v5 =	vadd.s32 v3, v5;
	_ =	sdelay $0x1  }
0x2c4: {  	s6 =	simm.s32 $0x8100  }
0x2c5: {  	[tilespmem:s6], [sflag:$0x1] =	stream.indirect_vreg.gather [hbm4b:s1+s3], $0x80, v6, vm0, $0xb8;
	[tilespmem:$0x12400] =	vst v63  }
0x2c6: {  	s25 =	simm.s32 $0x8900  }
0x2c7: {  	[tilespmem:s25], [sflag:$0x1] =	stream.indirect_vreg.gather [hbm4b:s1+s3], $0x80, v5, vm0, $0xb8;
	[tilespmem:$0x12400] =	vst v63  }
0x2c8: {  	v5 =	vld [tilespmem:$0x90];
	_ =	sdelay $0x4  }
0x2c9: {  	v6 =	vshll.u32 v5, $0x1  }
0x2ca: {  	v5 =	vand.u32 $0x7, v5;
	v6 =	vand.u32 $0xFFFFFFF0, v6  }
0x2cb: {  	v5 =	vor.u32 v5, v6  }
0x2cc: {  	v6 =	vperm.xlane v5, v2;
	_ =	sdelay $0x1  }
0x2cd: {  	v5 =	vperm.xlane v5, v4;
	v6 =	vadd.s32 v3, v6;
	_ =	sdelay $0x1  }
0x2ce: {  	v5 =	vadd.s32 v3, v5;
	_ =	sdelay $0x1  }
0x2cf: {  	s7 =	simm.s32 $0x9100  }
0x2d0: {  	[tilespmem:s7], [sflag:$0x1] =	stream.indirect_vreg.gather [hbm4b:s1+s3], $0x80, v6, vm0, $0xb8;
	[tilespmem:$0x12400] =	vst v63  }
0x2d1: {  	s10 =	simm.s32 $0x9900  }
0x2d2: {  	[tilespmem:s10], [sflag:$0x1] =	stream.indirect_vreg.gather [hbm4b:s1+s3], $0x80, v5, vm0, $0xb8;
	[tilespmem:$0x12400] =	vst v63  }
0x2d3: {  	v5 =	vld [tilespmem:$0xA0];
	_ =	sdelay $0x4  }
0x2d4: {  	v6 =	vshll.u32 v5, $0x1  }
0x2d5: {  	v5 =	vand.u32 $0x7, v5;
	v6 =	vand.u32 $0xFFFFFFF0, v6  }
0x2d6: {  	v5 =	vor.u32 v5, v6  }
0x2d7: {  	v6 =	vperm.xlane v5, v2;
	_ =	sdelay $0x1  }
0x2d8: {  	v5 =	vperm.xlane v5, v4;
	v6 =	vadd.s32 v3, v6;
	_ =	sdelay $0x1  }
0x2d9: {  	v5 =	vadd.s32 v3, v5;
	_ =	sdelay $0x1  }
0x2da: {  	s8 =	simm.s32 $0xA100  }
0x2db: {  	[tilespmem:s8], [sflag:$0x1] =	stream.indirect_vreg.gather [hbm4b:s1+s3], $0x80, v6, vm0, $0xb8;
	[tilespmem:$0x12400] =	vst v63  }
0x2dc: {  	s11 =	simm.s32 $0xA900  }
0x2dd: {  	[tilespmem:s11], [sflag:$0x1] =	stream.indirect_vreg.gather [hbm4b:s1+s3], $0x80, v5, vm0, $0xb8;
	[tilespmem:$0x12400] =	vst v63  }
0x2de: {  	v5 =	vld [tilespmem:$0xB0];
	_ =	sdelay $0x4  }
0x2df: {  	v6 =	vshll.u32 v5, $0x1  }
0x2e0: {  	v5 =	vand.u32 $0x7, v5;
	v6 =	vand.u32 $0xFFFFFFF0, v6  }
0x2e1: {  	v5 =	vor.u32 v5, v6  }
0x2e2: {  	v6 =	vperm.xlane v5, v2;
	_ =	sdelay $0x1  }
0x2e3: {  	v5 =	vperm.xlane v5, v4;
	v6 =	vadd.s32 v3, v6;
	_ =	sdelay $0x1  }
0x2e4: {  	v5 =	vadd.s32 v3, v5;
	_ =	sdelay $0x1  }
0x2e5: {  	s9 =	simm.s32 $0xB100  }
0x2e6: {  	[tilespmem:s9], [sflag:$0x1] =	stream.indirect_vreg.gather [hbm4b:s1+s3], $0x80, v6, vm0, $0xb8;
	[tilespmem:$0x12400] =	vst v63  }
0x2e7: {  	s28 =	simm.s32 $0xB900  }
0x2e8: {  	[tilespmem:s28], [sflag:$0x1] =	stream.indirect_vreg.gather [hbm4b:s1+s3], $0x80, v5, vm0, $0xb8;
	[tilespmem:$0x12400] =	vst v63  }
0x2e9: {  	v5 =	vld [tilespmem:$0xC0];
	_ =	sdelay $0x4  }
0x2ea: {  	v6 =	vshll.u32 v5, $0x1  }
0x2eb: {  	v5 =	vand.u32 $0x7, v5;
	v6 =	vand.u32 $0xFFFFFFF0, v6  }
0x2ec: {  	v5 =	vor.u32 v5, v6  }
0x2ed: {  	v6 =	vperm.xlane v5, v2;
	_ =	sdelay $0x1  }
0x2ee: {  	v5 =	vperm.xlane v5, v4;
	v6 =	vadd.s32 v3, v6;
	_ =	sdelay $0x1  }
0x2ef: {  	v5 =	vadd.s32 v3, v5;
	_ =	sdelay $0x1  }
0x2f0: {  	s29 =	simm.s32 $0xC100  }
0x2f1: {  	[tilespmem:s29], [sflag:$0x1] =	stream.indirect_vreg.gather [hbm4b:s1+s3], $0x80, v6, vm0, $0xb8;
	[tilespmem:$0x12400] =	vst v63  }
0x2f2: {  	s20 =	simm.s32 $0xC900  }
0x2f3: {  	[tilespmem:s20], [sflag:$0x1] =	stream.indirect_vreg.gather [hbm4b:s1+s3], $0x80, v5, vm0, $0xb8;
	[tilespmem:$0x12400] =	vst v63  }
0x2f4: {  	v5 =	vld [tilespmem:$0xD0];
	_ =	sdelay $0x4  }
0x2f5: {  	v6 =	vshll.u32 v5, $0x1  }
0x2f6: {  	v5 =	vand.u32 $0x7, v5;
	v6 =	vand.u32 $0xFFFFFFF0, v6  }
0x2f7: {  	v5 =	vor.u32 v5, v6  }
0x2f8: {  	v6 =	vperm.xlane v5, v2;
	_ =	sdelay $0x1  }
0x2f9: {  	v5 =	vperm.xlane v5, v4;
	v6 =	vadd.s32 v3, v6;
	_ =	sdelay $0x1  }
0x2fa: {  	v5 =	vadd.s32 v3, v5;
	_ =	sdelay $0x1  }
0x2fb: {  	s26 =	simm.s32 $0xD100  }
0x2fc: {  	[tilespmem:s26], [sflag:$0x1] =	stream.indirect_vreg.gather [hbm4b:s1+s3], $0x80, v6, vm0, $0xb8;
	[tilespmem:$0x12400] =	vst v63  }
0x2fd: {  	s16 =	simm.s32 $0xD900  }
0x2fe: {  	[tilespmem:s16], [sflag:$0x1] =	stream.indirect_vreg.gather [hbm4b:s1+s3], $0x80, v5, vm0, $0xb8;
	[tilespmem:$0x12400] =	vst v63  }
0x2ff: {  	v5 =	vld [tilespmem:$0xE0];
	_ =	sdelay $0x4  }
0x300: {  	v6 =	vshll.u32 v5, $0x1  }
0x301: {  	v5 =	vand.u32 $0x7, v5;
	v6 =	vand.u32 $0xFFFFFFF0, v6  }
0x302: {  	v5 =	vor.u32 v5, v6  }
0x303: {  	v6 =	vperm.xlane v5, v2;
	_ =	sdelay $0x1  }
0x304: {  	v5 =	vperm.xlane v5, v4;
	v6 =	vadd.s32 v3, v6;
	_ =	sdelay $0x1  }
0x305: {  	v5 =	vadd.s32 v3, v5;
	_ =	sdelay $0x1  }
0x306: {  	s24 =	simm.s32 $0xE100  }
0x307: {  	[tilespmem:s24], [sflag:$0x1] =	stream.indirect_vreg.gather [hbm4b:s1+s3], $0x80, v6, vm0, $0xb8;
	[tilespmem:$0x12400] =	vst v63  }
0x308: {  	s30 =	simm.s32 $0xE900  }
0x309: {  	[tilespmem:s30], [sflag:$0x1] =	stream.indirect_vreg.gather [hbm4b:s1+s3], $0x80, v5, vm0, $0xb8;
	[tilespmem:$0x12400] =	vst v63  }
0x30a: {  	v5 =	vld [tilespmem:$0xF0];
	_ =	sdelay $0x4  }
0x30b: {  	v6 =	vshll.u32 v5, $0x1  }
0x30c: {  	v5 =	vand.u32 $0x7, v5;
	v6 =	vand.u32 $0xFFFFFFF0, v6  }
0x30d: {  	v5 =	vor.u32 v5, v6  }
0x30e: {  	v6 =	vperm.xlane v5, v2;
	_ =	sdelay $0x1  }
0x30f: {  	v5 =	vperm.xlane v5, v4;
	v6 =	vadd.s32 v3, v6;
	_ =	sdelay $0x1  }
0x310: {  	v5 =	vadd.s32 v3, v5;
	_ =	sdelay $0x1  }
0x311: {  	s22 =	simm.s32 $0xF100  }
0x312: {  	[tilespmem:s22], [sflag:$0x1] =	stream.indirect_vreg.gather [hbm4b:s1+s3], $0x80, v6, vm0, $0xb8;
	[tilespmem:$0x12400] =	vst v63  }
0x313: {  	s19 =	simm.s32 $0xF900  }
0x314: {  	[tilespmem:s19], [sflag:$0x1] =	stream.indirect_vreg.gather [hbm4b:s1+s3], $0x80, v5, vm0, $0xb8;
	[tilespmem:$0x12400] =	vst v63  }
0x315: {  	_ =	swait.ge [sflag:s21], $0x10000  }
0x316: {  	[sflag:s21] =	ssyncset.done $0x0  }
0x317: {  	s30 =	rddreg [dreg:$0xd];
	[sflag:s21] =	ssyncadd.s32 $0xFFFF0000  }
0x318: {  	[hbm4b:s30+s3] =	stream.linear.scatter [tilespmem:s13], [sflag:$0x2], $0x10000, $0x38;
	[tilespmem:$0x12400] =	vst v63  }
0x319: {  	_ =	swait.ge [sflag:s14], $0x10000  }
0x31a: {  	[sflag:s14] =	ssyncset.done $0x0  }
0x31b: {  	s17 =	simm.s32 $0x10100;
	[sflag:s14] =	ssyncadd.s32 $0xFFFF0000  }
0x31c: {  	[spmem:s15] =	stream.indirect.scatter.add.f32 [tilespmem:s17], [sflag:$0x2], $0x1, s3, s13, $0xb8;
	[tilespmem:$0x12400] =	vst v63  }
0x31d: {  	_ =	swait.ge [sflag:s14], $0x100  }
0x31e: {  	[sflag:s14] =	ssyncset.done $0x0  }
0x31f: {  	s0 =	simm.s32 @!p0 $0x2;
	s25 =	sshrl.u32 @!p0 s15, $0x3;
	[sflag:s14] =	ssyncadd.s32 $0xFFFFFF00  }
0x320: {  	s28 =	simm.s32 @!p0 $0x20;
	s29 =	simm.s32 @!p0 $0x10;
	[bflag:$0x0] =	sbarrier.arrive $0xFFFF  }
0x321: {  	s26 =	simm.s32 @!p0 $0x1;
	s30 =	simm.s32 @!p0 $0x1C02;
	s31 =	rddreg [dreg:$0xe]  }
0x322: {  	[hbm:s31@s28], [sflag:s30] =	dma.strided @!p0 [spmem:s25@s29], $0x400, s26, $0x10   }
0x323: {  	_ =	swait.ge @!p0 [sflag:s0], $0x400  }
0x324: {  	s23 =	sadd.s32 $0x1, s23;
	s31 =	rddreg [dreg:$0xf]  }
0x325: {  	p1 =	sne.s32 s23, s31  }
.Ltmp1:
0x326: {  	_ = 	snop;
	(pc) =	sbr.rel @p1 .LBB2_1-.Ltmp1, $3  }
0x327: {  	_ =	sdelay $0x1  }
0x328: {  	[sflag:s0] =	ssyncset.done @!p0 $0x0;
	s0 =	simm.s32 @!p0 $0x2  }
0x329: {  	[sflag:s0] =	ssyncadd.s32 @!p0 $0xFFFFFC00  }
0x32a: {  	_ =	sfence.sel $0x180000  }
0x32b: {  	[bflag:$0x0] =	sbarrier.arrive $0xFFFF  }
0x32c: {  	_ =	strace $0x90000047  }
0x32d: {  	[bflag:$0x2] =	sbarrier.arrive $0xFFFF  }
0x32e: {  	s0 =	rddreg [dreg:$0x5]  }
0x32f: {  	s0 =	sadd.s32 @!p0 $0x100000, s0  }
0x330: {  	[sflag:s0] =	ssyncadd.tile.s32 @!p0 $0x1;
	_ =	shalt  }
.Lfunc_end2:
_tile_overlayer_lowered:
.L_overlay_start_2:
0x331: {  	(tag) =	ssettag $0x2  }
0x332: {  	s0 =	rddreg [dreg:$0x0];
	s2 =	stileid.u32  }
0x333: {  	s1 =	rddreg [dreg:$0x1];
	p0 =	sne.s32 s2, $0x0  }
0x334: {  	s3 =	rddreg [dreg:$0x2];
	[bflag:$0x3] =	sbarrier.arrive $0xFFFF;
	s2 =	simm.s32 @!p0 $0x1C02  }
0x335: {  	[timem:s3], [sflag:s2] =	dma.local @!p0 [hbm:s0], s1  }
0x336: {  	s0 =	simm.s32 @!p0 $0x2  }
0x337: {  	_ =	swait.ge @!p0 [sflag:s0], s1  }
0x338: {  	s1 =	ssub.s32 @!p0 $0x0, s1;
	[sflag:s0] =	ssyncset.done @!p0 $0x0  }
0x339: {  	[sflag:s0] =	ssyncadd.s32 @!p0 s1  }
0x33a: {  	[bflag:$0x3] =	sbarrier.arrive $0xFFFF  }
0x33b: {  	_ =	shalt  }

</sc_bundles>
